<compile_context>
chip_gen: v7x
topology: tpu7x:2x2x1
jax: 0.10.2.dev20260603
libtpu: 0.0.44.dev20260713+nightly
codegen_flags: <defaults>
</compile_context>

<pallas_src>
import functools

import jax
import jax.numpy as jnp
from jax import lax
from jax.experimental import pallas as pl
from jax.experimental.pallas import tpu as pltpu
from jax.experimental.pallas import tpu_sc as plsc

_NC = 2
_NS = 16
_L = 16

_ROWS_PER_SC = 217
_CH = 3200
_FLUSH = 3200
_BI = _FLUSH // _L
_NBLK = _CH // _FLUSH


def _impl(left, right, weight, *, interpret=False):
    n_pairs = left.shape[0]
    v = weight.shape[0]
    r = min(_ROWS_PER_SC, v // _NC)
    nu = v // (_NC * r)
    rem = v - nu * _NC * r
    rt = rem // _NC
    assert rem % _NC == 0
    assert n_pairs % _CH == 0 and _CH % _FLUSH == 0 and _FLUSH % _L == 0
    nchunk = n_pairs // _CH
    ntp = -(-nchunk // _NS)
    ntp += ntp % 2
    share = r * v // _NS
    assert r * v % _NS == 0
    if rt:
        assert rt * v % _NS == 0

    mesh = plsc.VectorSubcoreMesh(
        core_axis_name="c", subcore_axis_name="s",
        num_cores=_NC, num_subcores=_NS)

    @functools.partial(
        pl.kernel,
        out_type=jax.ShapeDtypeStruct((v * v,), jnp.float32),
        mesh=mesh,
        scratch_types=[
            pltpu.VMEM_SHARED((r * v,), jnp.float32),
            pltpu.VMEM((_CH,), jnp.int32),
            pltpu.VMEM((_CH,), jnp.int32),
            pltpu.VMEM((_CH,), jnp.int32),
            pltpu.VMEM((_CH,), jnp.int32),
            pltpu.VMEM((_FLUSH,), jnp.int32),
            pltpu.VMEM((_FLUSH,), jnp.float32),
            pltpu.SemaphoreType.DMA,
            pltpu.SemaphoreType.DMA,
            pltpu.SemaphoreType.DMA,
            pltpu.SemaphoreType.DMA,
        ],
        interpret=interpret,
    )
    def cooc(left_h, right_h, weight_h, out_h, hist,
             lb0, lb1, rb0, rb1, offb, valb,
             sl0, sl1, sr0, sr1):
        lbb, rbb = (lb0, lb1), (rb0, rb1)
        lsem, rsem = (sl0, sl1), (sr0, sr1)
        c = lax.axis_index("c")
        t = lax.axis_index("s")
        lane = lax.iota(jnp.int32, _L)

        def start_pair(ci, b):
            base = jnp.minimum(t + ci * _NS, nchunk - 1) * _CH
            pltpu.async_copy(left_h.at[pl.ds(base, _CH)], lbb[b], lsem[b])
            pltpu.async_copy(right_h.at[pl.ds(base, _CH)], rbb[b], rsem[b])

        def wait_pair(b):
            pltpu.make_async_copy(left_h.at[pl.ds(0, _CH)], lbb[b],
                                  lsem[b]).wait()
            pltpu.make_async_copy(right_h.at[pl.ds(0, _CH)], rbb[b],
                                  rsem[b]).wait()

        def scan_window(s_lo, s_hi):
            start_pair(0, 0)

            def fill_and_fire(lbuf, rbuf, s, hi_eff):
                def fill(jj, _):
                    k = (s * _BI + jj) * _L
                    lv = lbuf[pl.ds(k, _L)]
                    rv = rbuf[pl.ds(k, _L)]
                    d = lv - s_lo
                    m = (d >= 0) & (lv < hi_eff)
                    pad = t * 4096 + (jj % 64) * _L + lane
                    offb[pl.ds(jj * _L, _L)] = jnp.where(
                        m, d * v + rv, pad)
                    valb[pl.ds(jj * _L, _L)] = jnp.where(
                        m, jnp.float32(1.0), jnp.float32(0.0))
                    return 0
                lax.fori_loop(0, _BI, fill, 0, unroll=5)
                pltpu.sync_copy(valb, hist.at[offb], add=True)

            def chunk_pair_body(i2, _):
                for b in (0, 1):
                    ci = i2 * 2 + b
                    wait_pair(b)

                    @pl.when(ci < ntp - 1)
                    def _():
                        start_pair(ci + 1, 1 - b)

                    live_i = ((t + ci * _NS) < nchunk).astype(jnp.int32)
                    hi_eff = s_lo + (s_hi - s_lo) * live_i
                    lbuf, rbuf = lbb[b], rbb[b]

                    def blk(s, _):
                        fill_and_fire(lbuf, rbuf, s, hi_eff)
                        return 0
                    lax.fori_loop(0, _NBLK, blk, 0)
                return 0
            lax.fori_loop(0, ntp // 2, chunk_pair_body, 0)

        def uniform_pass(p, _):
            s_lo = (p * _NC + c) * r
            w0 = s_lo * v + t * share
            pltpu.sync_copy(weight_h.at[pl.ds(w0, share)],
                            hist.at[pl.ds(t * share, share)])
            plsc.subcore_barrier()
            scan_window(s_lo, s_lo + r)
            plsc.subcore_barrier()
            pltpu.sync_copy(hist.at[pl.ds(t * share, share)],
                            out_h.at[pl.ds(w0, share)])
            plsc.subcore_barrier()
            return 0

        lax.fori_loop(0, nu, uniform_pass, 0)

        if rt:
            share_t = rt * v // _NS
            s_lo = nu * _NC * r + c * rt
            w0 = s_lo * v + t * share_t
            pltpu.sync_copy(weight_h.at[pl.ds(w0, share_t)],
                            hist.at[pl.ds(t * share_t, share_t)])
            plsc.subcore_barrier()
            scan_window(s_lo, s_lo + rt)
            plsc.subcore_barrier()
            pltpu.sync_copy(hist.at[pl.ds(t * share_t, share_t)],
                            out_h.at[pl.ds(w0, share_t)])

    return cooc(left, right, weight.reshape(-1)).reshape(v, v)


def kernel(left, right, weight):
    left = left.astype(jnp.int32)
    right = right.astype(jnp.int32)
    return _impl(left, right, weight)

# --- scband reference (transcript-rebuilt; emitter-appended) ---
"""Pipeline reference for scband-coocurrence-28226525069525 (READ-ONLY COPY).

The authoritative reference and input builder live on the scoring server;
editing this copy changes nothing except your own understanding.
"""

import jax, jax.numpy as jnp
import numpy as np

N_VOCAB = 8192
N_PAIRS = 2000000
INCREMENT_BY = 1.0

def setup_inputs(seed: int = 0) -> dict:
    key = jax.random.key(seed)
    k1, k2 = jax.random.split(key)
    left = jax.random.randint(k1, (N_PAIRS,), 0, N_VOCAB)
    right = jax.random.randint(k2, (N_PAIRS,), 0, N_VOCAB)
    # buffer 'weight' registered in __init__ as zeros(n, n)
    weight = jnp.zeros((N_VOCAB, N_VOCAB), dtype=jnp.float32)
    return {"left": left, "right": right, "weight": weight}

def reference(left, right, weight):
    # Faithful translation of Coocurrence.record for LongTensor inputs.
    # The torch code uniquifies (left, right) pairs and adds counts * increment_by
    # to weight[unique_left, unique_right]; this is mathematically identical to a
    # duplicate-accumulating scatter-add of increment_by for every pair, which is
    # exactly the semantics of .at[...].add in jax.
    new_weight = weight.at[left, right].add(INCREMENT_BY)
    return new_weight

if __name__ == "__main__":
    import jax
    _d = setup_inputs()
    print(jax.jit(kernel)(*tuple(_d.values())))

</pallas_src>

<mosaic_0001>
#map = affine_map<(d0, d1) -> (0)>
module attributes {stable_mosaic.version = 14 : i64} {
  func.func @cooc(%arg0: i32, %arg1: i32, %arg2: memref<2000000xi32, #tpu.memory_space<hbm>>, %arg3: memref<2000000xi32, #tpu.memory_space<hbm>>, %arg4: memref<67108864xf32, #tpu.memory_space<hbm>>, %arg5: memref<67108864xf32, #tpu.memory_space<hbm>>, %arg6: memref<1777664xf32, #tpu.memory_space<vmem_shared>>, %arg7: memref<3200xi32, #tpu.memory_space<vmem>>, %arg8: memref<3200xi32, #tpu.memory_space<vmem>>, %arg9: memref<3200xi32, #tpu.memory_space<vmem>>, %arg10: memref<3200xi32, #tpu.memory_space<vmem>>, %arg11: memref<3200xi32, #tpu.memory_space<vmem>>, %arg12: memref<3200xf32, #tpu.memory_space<vmem>>, %arg13: memref<!tpu.dma_semaphore, #tpu.memory_space<semaphore_mem>>, %arg14: memref<!tpu.dma_semaphore, #tpu.memory_space<semaphore_mem>>, %arg15: memref<!tpu.dma_semaphore, #tpu.memory_space<semaphore_mem>>, %arg16: memref<!tpu.dma_semaphore, #tpu.memory_space<semaphore_mem>>) attributes {dimension_semantics = [#tpu.dimension_semantics<core_parallel>, #tpu.dimension_semantics<subcore_parallel>], iteration_bounds = array<i64: 2, 16>, scalar_prefetch = 0 : i64, scratch_operands = 11 : i64, tpu.core_type = #tpu.core_type<sc_vector_subcore>, window_params = [{transform_indices = #map}, {transform_indices = #map}, {transform_indices = #map}, {transform_indices = #map}]} {
    %iota3A = tpu.iota {dimensions = array<i32: 0>} : vector<16xi32>
    %scan3A = arith.constant 0 : i32
    %scan3A_0 = arith.constant 0 : i32
    %scan3A_1 = arith.constant 18 : i32
    %scan3A_2 = arith.addi %scan3A_0, %scan3A_1 : i32
    %scan3A_3 = arith.constant 1 : i32
    %scan3A_4 = scf.for %scan3A_35 = %scan3A_0 to %scan3A_2 step %scan3A_3 iter_args(%scan3A_36 = %scan3A) -> (i32)  : i32 {
      %mul3A_37 = arith.constant 2 : i32
      %mul3A_38 = arith.muli %scan3A_35, %mul3A_37 : i32
      %add3A_39 = arith.addi %mul3A_38, %arg0 : i32
      %mul3A_40 = arith.constant 217 : i32
      %mul3A_41 = arith.muli %add3A_39, %mul3A_40 : i32
      %mul3A_42 = arith.constant 8192 : i32
      %mul3A_43 = arith.muli %mul3A_41, %mul3A_42 : i32
      %mul3A_44 = arith.constant 111104 : i32
      %mul3A_45 = arith.muli %arg1, %mul3A_44 : i32
      %add3A_46 = arith.addi %mul3A_43, %mul3A_45 : i32
      %mul3A_47 = arith.constant 111104 : i32
      %mul3A_48 = arith.muli %arg1, %mul3A_47 : i32
      "tpu.region"() ({
        %run_scoped3A = tpu.sem_alloc : memref<!tpu.dma_semaphore, #tpu.memory_space<semaphore_mem>>
        %dma_start3A_74 = tpu.memref_slice %arg6[%mul3A_48] : memref<1777664xf32, #tpu.memory_space<vmem_shared>> -> memref<111104xf32, #tpu.memory_space<vmem_shared>>
        %dma_start3A_75 = tpu.memref_slice %arg4[%add3A_46] : memref<67108864xf32, #tpu.memory_space<hbm>> -> memref<111104xf32, #tpu.memory_space<hbm>>
        tpu.enqueue_dma source(%dma_start3A_75 : memref<111104xf32, #tpu.memory_space<hbm>>) target(%dma_start3A_74 : memref<111104xf32, #tpu.memory_space<vmem_shared>>) target_semaphore(%run_scoped3A : memref<!tpu.dma_semaphore, #tpu.memory_space<semaphore_mem>>)
        %dma_wait3A = tpu.memref_slice %arg6[%mul3A_48] : memref<1777664xf32, #tpu.memory_space<vmem_shared>> -> memref<111104xf32, #tpu.memory_space<vmem_shared>>
        %dma_wait3A_76 = tpu.memref_slice %arg4[%add3A_46] : memref<67108864xf32, #tpu.memory_space<hbm>> -> memref<111104xf32, #tpu.memory_space<hbm>>
        tpu.wait_dma2 semaphore(%run_scoped3A : memref<!tpu.dma_semaphore, #tpu.memory_space<semaphore_mem>>) src(%dma_wait3A_76 : memref<111104xf32, #tpu.memory_space<hbm>>) dst(%dma_wait3A : memref<111104xf32, #tpu.memory_space<vmem_shared>>)
        tpu.yield
      }) : () -> ()
      %barrier3A_49 = arith.constant 0 : index
      tpu.barrier barrier_id(%barrier3A_49)
      %add3A_50 = arith.constant 217 : i32
      %add3A_51 = arith.addi %mul3A_41, %add3A_50 : i32
      %add3A_52 = arith.constant 0 : i32
      %add3A_53 = arith.addi %arg1, %add3A_52 : i32
      %min3A_54 = arith.constant 624 : i32
      %min3A_55 = arith.minsi %add3A_53, %min3A_54 : i32
      %mul3A_56 = arith.constant 3200 : i32
      %mul3A_57 = arith.muli %min3A_55, %mul3A_56 : i32
      %dma_start3A_58 = tpu.memref_slice %arg2[%mul3A_57] : memref<2000000xi32, #tpu.memory_space<hbm>> -> memref<3200xi32, #tpu.memory_space<hbm>>
      %dma_start3A_59 = tpu.memref_slice %arg2[%mul3A_57] : memref<2000000xi32, #tpu.memory_space<hbm>> -> memref<3200xi32, #tpu.memory_space<hbm>>
      tpu.enqueue_dma source(%dma_start3A_59 : memref<3200xi32, #tpu.memory_space<hbm>>) target(%arg7 : memref<3200xi32, #tpu.memory_space<vmem>>) target_semaphore(%arg13 : memref<!tpu.dma_semaphore, #tpu.memory_space<semaphore_mem>>)
      %dma_start3A_60 = tpu.memref_slice %arg3[%mul3A_57] : memref<2000000xi32, #tpu.memory_space<hbm>> -> memref<3200xi32, #tpu.memory_space<hbm>>
      %dma_start3A_61 = tpu.memref_slice %arg3[%mul3A_57] : memref<2000000xi32, #tpu.memory_space<hbm>> -> memref<3200xi32, #tpu.memory_space<hbm>>
      tpu.enqueue_dma source(%dma_start3A_61 : memref<3200xi32, #tpu.memory_space<hbm>>) target(%arg9 : memref<3200xi32, #tpu.memory_space<vmem>>) target_semaphore(%arg15 : memref<!tpu.dma_semaphore, #tpu.memory_space<semaphore_mem>>)
      %scan3A_62 = arith.constant 0 : i32
      %scan3A_63 = arith.constant 0 : i32
      %scan3A_64 = arith.constant 20 : i32
      %scan3A_65 = arith.addi %scan3A_63, %scan3A_64 : i32
      %scan3A_66 = arith.constant 1 : i32
      %scan3A_67 = scf.for %scan3A_74 = %scan3A_63 to %scan3A_65 step %scan3A_66 iter_args(%scan3A_75 = %scan3A_62) -> (i32)  : i32 {
        %mul3A_76 = arith.constant 2 : i32
        %mul3A_77 = arith.muli %scan3A_74, %mul3A_76 : i32
        %add3A_78 = arith.constant 0 : i32
        %add3A_79 = arith.addi %mul3A_77, %add3A_78 : i32
        %dma_wait3A = arith.constant 0 : i32
        %dma_wait3A_80 = tpu.memref_slice %arg2[%dma_wait3A] : memref<2000000xi32, #tpu.memory_space<hbm>> -> memref<3200xi32, #tpu.memory_space<hbm>>
        %dma_wait3A_81 = arith.constant 0 : i32
        %dma_wait3A_82 = tpu.memref_slice %arg2[%dma_wait3A_81] : memref<2000000xi32, #tpu.memory_space<hbm>> -> memref<3200xi32, #tpu.memory_space<hbm>>
        tpu.wait_dma2 semaphore(%arg13 : memref<!tpu.dma_semaphore, #tpu.memory_space<semaphore_mem>>) src(%dma_wait3A_82 : memref<3200xi32, #tpu.memory_space<hbm>>) dst(%arg7 : memref<3200xi32, #tpu.memory_space<vmem>>)
        %dma_wait3A_83 = arith.constant 0 : i32
        %dma_wait3A_84 = tpu.memref_slice %arg3[%dma_wait3A_83] : memref<2000000xi32, #tpu.memory_space<hbm>> -> memref<3200xi32, #tpu.memory_space<hbm>>
        %dma_wait3A_85 = arith.constant 0 : i32
        %dma_wait3A_86 = tpu.memref_slice %arg3[%dma_wait3A_85] : memref<2000000xi32, #tpu.memory_space<hbm>> -> memref<3200xi32, #tpu.memory_space<hbm>>
        tpu.wait_dma2 semaphore(%arg15 : memref<!tpu.dma_semaphore, #tpu.memory_space<semaphore_mem>>) src(%dma_wait3A_86 : memref<3200xi32, #tpu.memory_space<hbm>>) dst(%arg9 : memref<3200xi32, #tpu.memory_space<vmem>>)
        %lt3A = arith.constant 39 : i32
        %lt3A_87 = arith.cmpi slt, %add3A_79, %lt3A : i32
        %convert_element_type3A = arith.extui %lt3A_87 : i1 to i32
        %cond3A = arith.constant 0 : i32
        %cond3A_88 = arith.cmpi ne, %convert_element_type3A, %cond3A : i32
        scf.if %cond3A_88 {
          %add3A_146 = arith.constant 1 : i32
          %add3A_147 = arith.addi %add3A_79, %add3A_146 : i32
          %mul3A_148 = arith.constant 16 : i32
          %mul3A_149 = arith.muli %add3A_147, %mul3A_148 : i32
          %add3A_150 = arith.addi %arg1, %mul3A_149 : i32
          %min3A_151 = arith.constant 624 : i32
          %min3A_152 = arith.minsi %add3A_150, %min3A_151 : i32
          %mul3A_153 = arith.constant 3200 : i32
          %mul3A_154 = arith.muli %min3A_152, %mul3A_153 : i32
          %dma_start3A_155 = tpu.memref_slice %arg2[%mul3A_154] : memref<2000000xi32, #tpu.memory_space<hbm>> -> memref<3200xi32, #tpu.memory_space<hbm>>
          %dma_start3A_156 = tpu.memref_slice %arg2[%mul3A_154] : memref<2000000xi32, #tpu.memory_space<hbm>> -> memref<3200xi32, #tpu.memory_space<hbm>>
          tpu.enqueue_dma source(%dma_start3A_156 : memref<3200xi32, #tpu.memory_space<hbm>>) target(%arg8 : memref<3200xi32, #tpu.memory_space<vmem>>) target_semaphore(%arg14 : memref<!tpu.dma_semaphore, #tpu.memory_space<semaphore_mem>>)
          %dma_start3A_157 = tpu.memref_slice %arg3[%mul3A_154] : memref<2000000xi32, #tpu.memory_space<hbm>> -> memref<3200xi32, #tpu.memory_space<hbm>>
          %dma_start3A_158 = tpu.memref_slice %arg3[%mul3A_154] : memref<2000000xi32, #tpu.memory_space<hbm>> -> memref<3200xi32, #tpu.memory_space<hbm>>
          tpu.enqueue_dma source(%dma_start3A_158 : memref<3200xi32, #tpu.memory_space<hbm>>) target(%arg10 : memref<3200xi32, #tpu.memory_space<vmem>>) target_semaphore(%arg16 : memref<!tpu.dma_semaphore, #tpu.memory_space<semaphore_mem>>)
        } else {
        }
        %mul3A_89 = arith.constant 16 : i32
        %mul3A_90 = arith.muli %add3A_79, %mul3A_89 : i32
        %add3A_91 = arith.addi %arg1, %mul3A_90 : i32
        %lt3A_92 = arith.constant 625 : i32
        %lt3A_93 = arith.cmpi slt, %add3A_91, %lt3A_92 : i32
        %convert_element_type3A_94 = arith.extui %lt3A_93 : i1 to i32
        %sub3A = arith.subi %add3A_51, %mul3A_41 : i32
        %mul3A_95 = arith.muli %sub3A, %convert_element_type3A_94 : i32
        %add3A_96 = arith.addi %mul3A_41, %mul3A_95 : i32
        %scan3A_97 = arith.constant 0 : i32
        %scan3A_98 = arith.constant 0 : i32
        %scan3A_99 = arith.constant 0 : i32
        %scan3A_100 = arith.constant 0 : i32
        %scan3A_101 = arith.constant 200 : i32
        %scan3A_102 = arith.addi %scan3A_100, %scan3A_101 : i32
        %scan3A_103 = arith.constant 5 : i32
        %scan3A_104 = scf.for %scan3A_146 = %scan3A_100 to %scan3A_102 step %scan3A_103 iter_args(%scan3A_147 = %scan3A_99) -> (i32)  : i32 {
          %mul3A_148 = arith.constant 200 : i32
          %mul3A_149 = arith.muli %scan3A_98, %mul3A_148 : i32
          %add3A_150 = arith.addi %mul3A_149, %scan3A_146 : i32
          %mul3A_151 = arith.constant 16 : i32
          %mul3A_152 = arith.muli %add3A_150, %mul3A_151 : i32
          %get3A = arith.index_cast %mul3A_152 : i32 to index
          %get3A_153 = tpu.vector_load %arg7[%get3A] {strides = array<i32>} : memref<3200xi32, #tpu.memory_space<vmem>>, vector<16xi32>,
          %get3A_154 = vector.shape_cast %get3A_153 : vector<16xi32> to vector<16xi32>
          %get3A_155 = arith.index_cast %mul3A_152 : i32 to index
          %get3A_156 = tpu.vector_load %arg9[%get3A_155] {strides = array<i32>} : memref<3200xi32, #tpu.memory_space<vmem>>, vector<16xi32>,
          %get3A_157 = vector.shape_cast %get3A_156 : vector<16xi32> to vector<16xi32>
          %sub3A_158 = vector.broadcast %mul3A_41 : i32 to vector<16xi32>
          %sub3A_159 = arith.subi %get3A_154, %sub3A_158 : vector<16xi32>
          %ge3A = arith.constant 0 : i32
          %ge3A_160 = vector.broadcast %ge3A : i32 to vector<16xi32>
          %ge3A_161 = arith.cmpi sge, %sub3A_159, %ge3A_160 : vector<16xi32>
          %lt3A_162 = vector.broadcast %add3A_96 : i32 to vector<16xi32>
          %lt3A_163 = arith.cmpi slt, %get3A_154, %lt3A_162 : vector<16xi32>
          %and3A = arith.andi %ge3A_161, %lt3A_163 : vector<16xi1>
          %mul3A_164 = arith.constant 4096 : i32
          %mul3A_165 = arith.muli %arg1, %mul3A_164 : i32
          %jit3A = arith.constant 64 : i32
          %eq3A = arith.constant 0 : i32
          %eq3A_166 = arith.cmpi eq, %jit3A, %eq3A : i32
          %jit3A_167 = arith.constant 1 : i32
          %select_n3A = arith.select %eq3A_166, %jit3A_167, %jit3A : i32
          %rem3A = arith.remsi %scan3A_146, %select_n3A : i32
          %ne3A = arith.constant 0 : i32
          %ne3A_168 = arith.cmpi ne, %rem3A, %ne3A : i32
          %lt3A_169 = arith.constant 0 : i32
          %lt3A_170 = arith.cmpi slt, %rem3A, %lt3A_169 : i32
          %lt3A_171 = arith.constant 0 : i32
          %lt3A_172 = arith.cmpi slt, %select_n3A, %lt3A_171 : i32
          %ne3A_173 = arith.xori %lt3A_170, %lt3A_172 : i1
          %and3A_174 = arith.andi %ne3A_173, %ne3A_168 : i1
          %add3A_175 = arith.addi %rem3A, %select_n3A : i32
          %select_n3A_176 = arith.select %and3A_174, %add3A_175, %rem3A : i32
          %mul3A_177 = arith.constant 16 : i32
          %mul3A_178 = arith.muli %select_n3A_176, %mul3A_177 : i32
          %add3A_179 = arith.addi %mul3A_165, %mul3A_178 : i32
          %add3A_180 = vector.broadcast %add3A_179 : i32 to vector<16xi32>
          %add3A_181 = arith.addi %add3A_180, %iota3A : vector<16xi32>
          %mul3A_182 = arith.constant 8192 : i32
          %mul3A_183 = vector.broadcast %mul3A_182 : i32 to vector<16xi32>
          %mul3A_184 = arith.muli %sub3A_159, %mul3A_183 : vector<16xi32>
          %add3A_185 = arith.addi %mul3A_184, %get3A_157 : vector<16xi32>
          %select_n3A_186 = arith.select %and3A, %add3A_185, %add3A_181 : vector<16xi1>, vector<16xi32>
          %mul3A_187 = arith.constant 16 : i32
          %mul3A_188 = arith.muli %scan3A_146, %mul3A_187 : i32
          %swap3A = arith.index_cast %mul3A_188 : i32 to index
          %swap3A_189 = tpu.vector_load %arg11[%swap3A] {strides = array<i32>} : memref<3200xi32, #tpu.memory_space<vmem>>, vector<16xi32>,
          %swap3A_190 = vector.shape_cast %swap3A_189 : vector<16xi32> to vector<16xi32>
          %swap3A_191 = vector.shape_cast %select_n3A_186 : vector<16xi32> to vector<16xi32>
          tpu.vector_store %arg11[%swap3A], %swap3A_191 {strides = array<i32>} : memref<3200xi32, #tpu.memory_space<vmem>>, vector<16xi32>,
          %jit3A_192 = arith.constant 1.000000e+00 : f32
          %jit3A_193 = arith.constant 0.000000e+00 : f32
          %broadcast_in_dim3A = vector.broadcast %jit3A_192 : f32 to vector<16xf32>
          %broadcast_in_dim3A_194 = vector.broadcast %jit3A_193 : f32 to vector<16xf32>
          %select_n3A_195 = arith.select %and3A, %broadcast_in_dim3A, %broadcast_in_dim3A_194 : vector<16xi1>, vector<16xf32>
          %mul3A_196 = arith.constant 16 : i32
          %mul3A_197 = arith.muli %scan3A_146, %mul3A_196 : i32
          %swap3A_198 = arith.index_cast %mul3A_197 : i32 to index
          %swap3A_199 = tpu.vector_load %arg12[%swap3A_198] {strides = array<i32>} : memref<3200xf32, #tpu.memory_space<vmem>>, vector<16xf32>,
          %swap3A_200 = vector.shape_cast %swap3A_199 : vector<16xf32> to vector<16xf32>
          %swap3A_201 = vector.shape_cast %select_n3A_195 : vector<16xf32> to vector<16xf32>
          tpu.vector_store %arg12[%swap3A_198], %swap3A_201 {strides = array<i32>} : memref<3200xf32, #tpu.memory_space<vmem>>, vector<16xf32>,
          %scan3A_202 = arith.constant 0 : i32
          %scan3A_203 = arith.constant 1 : i32
          %scan3A_204 = arith.addi %scan3A_146, %scan3A_203 : i32
          %mul3A_205 = arith.constant 200 : i32
          %mul3A_206 = arith.muli %scan3A_98, %mul3A_205 : i32
          %add3A_207 = arith.addi %mul3A_206, %scan3A_204 : i32
          %mul3A_208 = arith.constant 16 : i32
          %mul3A_209 = arith.muli %add3A_207, %mul3A_208 : i32
          %get3A_210 = arith.index_cast %mul3A_209 : i32 to index
          %get3A_211 = tpu.vector_load %arg7[%get3A_210] {strides = array<i32>} : memref<3200xi32, #tpu.memory_space<vmem>>, vector<16xi32>,
          %get3A_212 = vector.shape_cast %get3A_211 : vector<16xi32> to vector<16xi32>
          %get3A_213 = arith.index_cast %mul3A_209 : i32 to index
          %get3A_214 = tpu.vector_load %arg9[%get3A_213] {strides = array<i32>} : memref<3200xi32, #tpu.memory_space<vmem>>, vector<16xi32>,
          %get3A_215 = vector.shape_cast %get3A_214 : vector<16xi32> to vector<16xi32>
          %sub3A_216 = vector.broadcast %mul3A_41 : i32 to vector<16xi32>
          %sub3A_217 = arith.subi %get3A_212, %sub3A_216 : vector<16xi32>
          %ge3A_218 = arith.constant 0 : i32
          %ge3A_219 = vector.broadcast %ge3A_218 : i32 to vector<16xi32>
          %ge3A_220 = arith.cmpi sge, %sub3A_217, %ge3A_219 : vector<16xi32>
          %lt3A_221 = vector.broadcast %add3A_96 : i32 to vector<16xi32>
          %lt3A_222 = arith.cmpi slt, %get3A_212, %lt3A_221 : vector<16xi32>
          %and3A_223 = arith.andi %ge3A_220, %lt3A_222 : vector<16xi1>
          %mul3A_224 = arith.constant 4096 : i32
          %mul3A_225 = arith.muli %arg1, %mul3A_224 : i32
          %jit3A_226 = arith.constant 64 : i32
          %eq3A_227 = arith.constant 0 : i32
          %eq3A_228 = arith.cmpi eq, %jit3A_226, %eq3A_227 : i32
          %jit3A_229 = arith.constant 1 : i32
          %select_n3A_230 = arith.select %eq3A_228, %jit3A_229, %jit3A_226 : i32
          %rem3A_231 = arith.remsi %scan3A_204, %select_n3A_230 : i32
          %ne3A_232 = arith.constant 0 : i32
          %ne3A_233 = arith.cmpi ne, %rem3A_231, %ne3A_232 : i32
          %lt3A_234 = arith.constant 0 : i32
          %lt3A_235 = arith.cmpi slt, %rem3A_231, %lt3A_234 : i32
          %lt3A_236 = arith.constant 0 : i32
          %lt3A_237 = arith.cmpi slt, %select_n3A_230, %lt3A_236 : i32
          %ne3A_238 = arith.xori %lt3A_235, %lt3A_237 : i1
          %and3A_239 = arith.andi %ne3A_238, %ne3A_233 : i1
          %add3A_240 = arith.addi %rem3A_231, %select_n3A_230 : i32
          %select_n3A_241 = arith.select %and3A_239, %add3A_240, %rem3A_231 : i32
          %mul3A_242 = arith.constant 16 : i32
          %mul3A_243 = arith.muli %select_n3A_241, %mul3A_242 : i32
          %add3A_244 = arith.addi %mul3A_225, %mul3A_243 : i32
          %add3A_245 = vector.broadcast %add3A_244 : i32 to vector<16xi32>
          %add3A_246 = arith.addi %add3A_245, %iota3A : vector<16xi32>
          %mul3A_247 = arith.constant 8192 : i32
          %mul3A_248 = vector.broadcast %mul3A_247 : i32 to vector<16xi32>
          %mul3A_249 = arith.muli %sub3A_217, %mul3A_248 : vector<16xi32>
          %add3A_250 = arith.addi %mul3A_249, %get3A_215 : vector<16xi32>
          %select_n3A_251 = arith.select %and3A_223, %add3A_250, %add3A_246 : vector<16xi1>, vector<16xi32>
          %mul3A_252 = arith.constant 16 : i32
          %mul3A_253 = arith.muli %scan3A_204, %mul3A_252 : i32
          %swap3A_254 = arith.index_cast %mul3A_253 : i32 to index
          %swap3A_255 = tpu.vector_load %arg11[%swap3A_254] {strides = array<i32>} : memref<3200xi32, #tpu.memory_space<vmem>>, vector<16xi32>,
          %swap3A_256 = vector.shape_cast %swap3A_255 : vector<16xi32> to vector<16xi32>
          %swap3A_257 = vector.shape_cast %select_n3A_251 : vector<16xi32> to vector<16xi32>
          tpu.vector_store %arg11[%swap3A_254], %swap3A_257 {strides = array<i32>} : memref<3200xi32, #tpu.memory_space<vmem>>, vector<16xi32>,
          %jit3A_258 = arith.constant 1.000000e+00 : f32
          %jit3A_259 = arith.constant 0.000000e+00 : f32
          %broadcast_in_dim3A_260 = vector.broadcast %jit3A_258 : f32 to vector<16xf32>
          %broadcast_in_dim3A_261 = vector.broadcast %jit3A_259 : f32 to vector<16xf32>
          %select_n3A_262 = arith.select %and3A_223, %broadcast_in_dim3A_260, %broadcast_in_dim3A_261 : vector<16xi1>, vector<16xf32>
          %mul3A_263 = arith.constant 16 : i32
          %mul3A_264 = arith.muli %scan3A_204, %mul3A_263 : i32
          %swap3A_265 = arith.index_cast %mul3A_264 : i32 to index
          %swap3A_266 = tpu.vector_load %arg12[%swap3A_265] {strides = array<i32>} : memref<3200xf32, #tpu.memory_space<vmem>>, vector<16xf32>,
          %swap3A_267 = vector.shape_cast %swap3A_266 : vector<16xf32> to vector<16xf32>
          %swap3A_268 = vector.shape_cast %select_n3A_262 : vector<16xf32> to vector<16xf32>
          tpu.vector_store %arg12[%swap3A_265], %swap3A_268 {strides = array<i32>} : memref<3200xf32, #tpu.memory_space<vmem>>, vector<16xf32>,
          %scan3A_269 = arith.constant 0 : i32
          %scan3A_270 = arith.constant 2 : i32
          %scan3A_271 = arith.addi %scan3A_146, %scan3A_270 : i32
          %mul3A_272 = arith.constant 200 : i32
          %mul3A_273 = arith.muli %scan3A_98, %mul3A_272 : i32
          %add3A_274 = arith.addi %mul3A_273, %scan3A_271 : i32
          %mul3A_275 = arith.constant 16 : i32
          %mul3A_276 = arith.muli %add3A_274, %mul3A_275 : i32
          %get3A_277 = arith.index_cast %mul3A_276 : i32 to index
          %get3A_278 = tpu.vector_load %arg7[%get3A_277] {strides = array<i32>} : memref<3200xi32, #tpu.memory_space<vmem>>, vector<16xi32>,
          %get3A_279 = vector.shape_cast %get3A_278 : vector<16xi32> to vector<16xi32>
          %get3A_280 = arith.index_cast %mul3A_276 : i32 to index
          %get3A_281 = tpu.vector_load %arg9[%get3A_280] {strides = array<i32>} : memref<3200xi32, #tpu.memory_space<vmem>>, vector<16xi32>,
          %get3A_282 = vector.shape_cast %get3A_281 : vector<16xi32> to vector<16xi32>
          %sub3A_283 = vector.broadcast %mul3A_41 : i32 to vector<16xi32>
          %sub3A_284 = arith.subi %get3A_279, %sub3A_283 : vector<16xi32>
          %ge3A_285 = arith.constant 0 : i32
          %ge3A_286 = vector.broadcast %ge3A_285 : i32 to vector<16xi32>
          %ge3A_287 = arith.cmpi sge, %sub3A_284, %ge3A_286 : vector<16xi32>
          %lt3A_288 = vector.broadcast %add3A_96 : i32 to vector<16xi32>
          %lt3A_289 = arith.cmpi slt, %get3A_279, %lt3A_288 : vector<16xi32>
          %and3A_290 = arith.andi %ge3A_287, %lt3A_289 : vector<16xi1>
          %mul3A_291 = arith.constant 4096 : i32
          %mul3A_292 = arith.muli %arg1, %mul3A_291 : i32
          %jit3A_293 = arith.constant 64 : i32
          %eq3A_294 = arith.constant 0 : i32
          %eq3A_295 = arith.cmpi eq, %jit3A_293, %eq3A_294 : i32
          %jit3A_296 = arith.constant 1 : i32
          %select_n3A_297 = arith.select %eq3A_295, %jit3A_296, %jit3A_293 : i32
          %rem3A_298 = arith.remsi %scan3A_271, %select_n3A_297 : i32
          %ne3A_299 = arith.constant 0 : i32
          %ne3A_300 = arith.cmpi ne, %rem3A_298, %ne3A_299 : i32
          %lt3A_301 = arith.constant 0 : i32
          %lt3A_302 = arith.cmpi slt, %rem3A_298, %lt3A_301 : i32
          %lt3A_303 = arith.constant 0 : i32
          %lt3A_304 = arith.cmpi slt, %select_n3A_297, %lt3A_303 : i32
          %ne3A_305 = arith.xori %lt3A_302, %lt3A_304 : i1
          %and3A_306 = arith.andi %ne3A_305, %ne3A_300 : i1
          %add3A_307 = arith.addi %rem3A_298, %select_n3A_297 : i32
          %select_n3A_308 = arith.select %and3A_306, %add3A_307, %rem3A_298 : i32
          %mul3A_309 = arith.constant 16 : i32
          %mul3A_310 = arith.muli %select_n3A_308, %mul3A_309 : i32
          %add3A_311 = arith.addi %mul3A_292, %mul3A_310 : i32
          %add3A_312 = vector.broadcast %add3A_311 : i32 to vector<16xi32>
          %add3A_313 = arith.addi %add3A_312, %iota3A : vector<16xi32>
          %mul3A_314 = arith.constant 8192 : i32
          %mul3A_315 = vector.broadcast %mul3A_314 : i32 to vector<16xi32>
          %mul3A_316 = arith.muli %sub3A_284, %mul3A_315 : vector<16xi32>
          %add3A_317 = arith.addi %mul3A_316, %get3A_282 : vector<16xi32>
          %select_n3A_318 = arith.select %and3A_290, %add3A_317, %add3A_313 : vector<16xi1>, vector<16xi32>
          %mul3A_319 = arith.constant 16 : i32
          %mul3A_320 = arith.muli %scan3A_271, %mul3A_319 : i32
          %swap3A_321 = arith.index_cast %mul3A_320 : i32 to index
          %swap3A_322 = tpu.vector_load %arg11[%swap3A_321] {strides = array<i32>} : memref<3200xi32, #tpu.memory_space<vmem>>, vector<16xi32>,
          %swap3A_323 = vector.shape_cast %swap3A_322 : vector<16xi32> to vector<16xi32>
          %swap3A_324 = vector.shape_cast %select_n3A_318 : vector<16xi32> to vector<16xi32>
          tpu.vector_store %arg11[%swap3A_321], %swap3A_324 {strides = array<i32>} : memref<3200xi32, #tpu.memory_space<vmem>>, vector<16xi32>,
          %jit3A_325 = arith.constant 1.000000e+00 : f32
          %jit3A_326 = arith.constant 0.000000e+00 : f32
          %broadcast_in_dim3A_327 = vector.broadcast %jit3A_325 : f32 to vector<16xf32>
          %broadcast_in_dim3A_328 = vector.broadcast %jit3A_326 : f32 to vector<16xf32>
          %select_n3A_329 = arith.select %and3A_290, %broadcast_in_dim3A_327, %broadcast_in_dim3A_328 : vector<16xi1>, vector<16xf32>
          %mul3A_330 = arith.constant 16 : i32
          %mul3A_331 = arith.muli %scan3A_271, %mul3A_330 : i32
          %swap3A_332 = arith.index_cast %mul3A_331 : i32 to index
          %swap3A_333 = tpu.vector_load %arg12[%swap3A_332] {strides = array<i32>} : memref<3200xf32, #tpu.memory_space<vmem>>, vector<16xf32>,
          %swap3A_334 = vector.shape_cast %swap3A_333 : vector<16xf32> to vector<16xf32>
          %swap3A_335 = vector.shape_cast %select_n3A_329 : vector<16xf32> to vector<16xf32>
          tpu.vector_store %arg12[%swap3A_332], %swap3A_335 {strides = array<i32>} : memref<3200xf32, #tpu.memory_space<vmem>>, vector<16xf32>,
          %scan3A_336 = arith.constant 0 : i32
          %scan3A_337 = arith.constant 3 : i32
          %scan3A_338 = arith.addi %scan3A_146, %scan3A_337 : i32
          %mul3A_339 = arith.constant 200 : i32
          %mul3A_340 = arith.muli %scan3A_98, %mul3A_339 : i32
          %add3A_341 = arith.addi %mul3A_340, %scan3A_338 : i32
          %mul3A_342 = arith.constant 16 : i32
          %mul3A_343 = arith.muli %add3A_341, %mul3A_342 : i32
          %get3A_344 = arith.index_cast %mul3A_343 : i32 to index
          %get3A_345 = tpu.vector_load %arg7[%get3A_344] {strides = array<i32>} : memref<3200xi32, #tpu.memory_space<vmem>>, vector<16xi32>,
          %get3A_346 = vector.shape_cast %get3A_345 : vector<16xi32> to vector<16xi32>
          %get3A_347 = arith.index_cast %mul3A_343 : i32 to index
          %get3A_348 = tpu.vector_load %arg9[%get3A_347] {strides = array<i32>} : memref<3200xi32, #tpu.memory_space<vmem>>, vector<16xi32>,
          %get3A_349 = vector.shape_cast %get3A_348 : vector<16xi32> to vector<16xi32>
          %sub3A_350 = vector.broadcast %mul3A_41 : i32 to vector<16xi32>
          %sub3A_351 = arith.subi %get3A_346, %sub3A_350 : vector<16xi32>
          %ge3A_352 = arith.constant 0 : i32
          %ge3A_353 = vector.broadcast %ge3A_352 : i32 to vector<16xi32>
          %ge3A_354 = arith.cmpi sge, %sub3A_351, %ge3A_353 : vector<16xi32>
          %lt3A_355 = vector.broadcast %add3A_96 : i32 to vector<16xi32>
          %lt3A_356 = arith.cmpi slt, %get3A_346, %lt3A_355 : vector<16xi32>
          %and3A_357 = arith.andi %ge3A_354, %lt3A_356 : vector<16xi1>
          %mul3A_358 = arith.constant 4096 : i32
          %mul3A_359 = arith.muli %arg1, %mul3A_358 : i32
          %jit3A_360 = arith.constant 64 : i32
          %eq3A_361 = arith.constant 0 : i32
          %eq3A_362 = arith.cmpi eq, %jit3A_360, %eq3A_361 : i32
          %jit3A_363 = arith.constant 1 : i32
          %select_n3A_364 = arith.select %eq3A_362, %jit3A_363, %jit3A_360 : i32
          %rem3A_365 = arith.remsi %scan3A_338, %select_n3A_364 : i32
          %ne3A_366 = arith.constant 0 : i32
          %ne3A_367 = arith.cmpi ne, %rem3A_365, %ne3A_366 : i32
          %lt3A_368 = arith.constant 0 : i32
          %lt3A_369 = arith.cmpi slt, %rem3A_365, %lt3A_368 : i32
          %lt3A_370 = arith.constant 0 : i32
          %lt3A_371 = arith.cmpi slt, %select_n3A_364, %lt3A_370 : i32
          %ne3A_372 = arith.xori %lt3A_369, %lt3A_371 : i1
          %and3A_373 = arith.andi %ne3A_372, %ne3A_367 : i1
          %add3A_374 = arith.addi %rem3A_365, %select_n3A_364 : i32
          %select_n3A_375 = arith.select %and3A_373, %add3A_374, %rem3A_365 : i32
          %mul3A_376 = arith.constant 16 : i32
          %mul3A_377 = arith.muli %select_n3A_375, %mul3A_376 : i32
          %add3A_378 = arith.addi %mul3A_359, %mul3A_377 : i32
          %add3A_379 = vector.broadcast %add3A_378 : i32 to vector<16xi32>
          %add3A_380 = arith.addi %add3A_379, %iota3A : vector<16xi32>
          %mul3A_381 = arith.constant 8192 : i32
          %mul3A_382 = vector.broadcast %mul3A_381 : i32 to vector<16xi32>
          %mul3A_383 = arith.muli %sub3A_351, %mul3A_382 : vector<16xi32>
          %add3A_384 = arith.addi %mul3A_383, %get3A_349 : vector<16xi32>
          %select_n3A_385 = arith.select %and3A_357, %add3A_384, %add3A_380 : vector<16xi1>, vector<16xi32>
          %mul3A_386 = arith.constant 16 : i32
          %mul3A_387 = arith.muli %scan3A_338, %mul3A_386 : i32
          %swap3A_388 = arith.index_cast %mul3A_387 : i32 to index
          %swap3A_389 = tpu.vector_load %arg11[%swap3A_388] {strides = array<i32>} : memref<3200xi32, #tpu.memory_space<vmem>>, vector<16xi32>,
          %swap3A_390 = vector.shape_cast %swap3A_389 : vector<16xi32> to vector<16xi32>
          %swap3A_391 = vector.shape_cast %select_n3A_385 : vector<16xi32> to vector<16xi32>
          tpu.vector_store %arg11[%swap3A_388], %swap3A_391 {strides = array<i32>} : memref<3200xi32, #tpu.memory_space<vmem>>, vector<16xi32>,
          %jit3A_392 = arith.constant 1.000000e+00 : f32
          %jit3A_393 = arith.constant 0.000000e+00 : f32
          %broadcast_in_dim3A_394 = vector.broadcast %jit3A_392 : f32 to vector<16xf32>
          %broadcast_in_dim3A_395 = vector.broadcast %jit3A_393 : f32 to vector<16xf32>
          %select_n3A_396 = arith.select %and3A_357, %broadcast_in_dim3A_394, %broadcast_in_dim3A_395 : vector<16xi1>, vector<16xf32>
          %mul3A_397 = arith.constant 16 : i32
          %mul3A_398 = arith.muli %scan3A_338, %mul3A_397 : i32
          %swap3A_399 = arith.index_cast %mul3A_398 : i32 to index
          %swap3A_400 = tpu.vector_load %arg12[%swap3A_399] {strides = array<i32>} : memref<3200xf32, #tpu.memory_space<vmem>>, vector<16xf32>,
          %swap3A_401 = vector.shape_cast %swap3A_400 : vector<16xf32> to vector<16xf32>
          %swap3A_402 = vector.shape_cast %select_n3A_396 : vector<16xf32> to vector<16xf32>
          tpu.vector_store %arg12[%swap3A_399], %swap3A_402 {strides = array<i32>} : memref<3200xf32, #tpu.memory_space<vmem>>, vector<16xf32>,
          %scan3A_403 = arith.constant 0 : i32
          %scan3A_404 = arith.constant 4 : i32
          %scan3A_405 = arith.addi %scan3A_146, %scan3A_404 : i32
          %mul3A_406 = arith.constant 200 : i32
          %mul3A_407 = arith.muli %scan3A_98, %mul3A_406 : i32
          %add3A_408 = arith.addi %mul3A_407, %scan3A_405 : i32
          %mul3A_409 = arith.constant 16 : i32
          %mul3A_410 = arith.muli %add3A_408, %mul3A_409 : i32
          %get3A_411 = arith.index_cast %mul3A_410 : i32 to index
          %get3A_412 = tpu.vector_load %arg7[%get3A_411] {strides = array<i32>} : memref<3200xi32, #tpu.memory_space<vmem>>, vector<16xi32>,
          %get3A_413 = vector.shape_cast %get3A_412 : vector<16xi32> to vector<16xi32>
          %get3A_414 = arith.index_cast %mul3A_410 : i32 to index
          %get3A_415 = tpu.vector_load %arg9[%get3A_414] {strides = array<i32>} : memref<3200xi32, #tpu.memory_space<vmem>>, vector<16xi32>,
          %get3A_416 = vector.shape_cast %get3A_415 : vector<16xi32> to vector<16xi32>
          %sub3A_417 = vector.broadcast %mul3A_41 : i32 to vector<16xi32>
          %sub3A_418 = arith.subi %get3A_413, %sub3A_417 : vector<16xi32>
          %ge3A_419 = arith.constant 0 : i32
          %ge3A_420 = vector.broadcast %ge3A_419 : i32 to vector<16xi32>
          %ge3A_421 = arith.cmpi sge, %sub3A_418, %ge3A_420 : vector<16xi32>
          %lt3A_422 = vector.broadcast %add3A_96 : i32 to vector<16xi32>
          %lt3A_423 = arith.cmpi slt, %get3A_413, %lt3A_422 : vector<16xi32>
          %and3A_424 = arith.andi %ge3A_421, %lt3A_423 : vector<16xi1>
          %mul3A_425 = arith.constant 4096 : i32
          %mul3A_426 = arith.muli %arg1, %mul3A_425 : i32
          %jit3A_427 = arith.constant 64 : i32
          %eq3A_428 = arith.constant 0 : i32
          %eq3A_429 = arith.cmpi eq, %jit3A_427, %eq3A_428 : i32
          %jit3A_430 = arith.constant 1 : i32
          %select_n3A_431 = arith.select %eq3A_429, %jit3A_430, %jit3A_427 : i32
          %rem3A_432 = arith.remsi %scan3A_405, %select_n3A_431 : i32
          %ne3A_433 = arith.constant 0 : i32
          %ne3A_434 = arith.cmpi ne, %rem3A_432, %ne3A_433 : i32
          %lt3A_435 = arith.constant 0 : i32
          %lt3A_436 = arith.cmpi slt, %rem3A_432, %lt3A_435 : i32
          %lt3A_437 = arith.constant 0 : i32
          %lt3A_438 = arith.cmpi slt, %select_n3A_431, %lt3A_437 : i32
          %ne3A_439 = arith.xori %lt3A_436, %lt3A_438 : i1
          %and3A_440 = arith.andi %ne3A_439, %ne3A_434 : i1
          %add3A_441 = arith.addi %rem3A_432, %select_n3A_431 : i32
          %select_n3A_442 = arith.select %and3A_440, %add3A_441, %rem3A_432 : i32
          %mul3A_443 = arith.constant 16 : i32
          %mul3A_444 = arith.muli %select_n3A_442, %mul3A_443 : i32
          %add3A_445 = arith.addi %mul3A_426, %mul3A_444 : i32
          %add3A_446 = vector.broadcast %add3A_445 : i32 to vector<16xi32>
          %add3A_447 = arith.addi %add3A_446, %iota3A : vector<16xi32>
          %mul3A_448 = arith.constant 8192 : i32
          %mul3A_449 = vector.broadcast %mul3A_448 : i32 to vector<16xi32>
          %mul3A_450 = arith.muli %sub3A_418, %mul3A_449 : vector<16xi32>
          %add3A_451 = arith.addi %mul3A_450, %get3A_416 : vector<16xi32>
          %select_n3A_452 = arith.select %and3A_424, %add3A_451, %add3A_447 : vector<16xi1>, vector<16xi32>
          %mul3A_453 = arith.constant 16 : i32
          %mul3A_454 = arith.muli %scan3A_405, %mul3A_453 : i32
          %swap3A_455 = arith.index_cast %mul3A_454 : i32 to index
          %swap3A_456 = tpu.vector_load %arg11[%swap3A_455] {strides = array<i32>} : memref<3200xi32, #tpu.memory_space<vmem>>, vector<16xi32>,
          %swap3A_457 = vector.shape_cast %swap3A_456 : vector<16xi32> to vector<16xi32>
          %swap3A_458 = vector.shape_cast %select_n3A_452 : vector<16xi32> to vector<16xi32>
          tpu.vector_store %arg11[%swap3A_455], %swap3A_458 {strides = array<i32>} : memref<3200xi32, #tpu.memory_space<vmem>>, vector<16xi32>,
          %jit3A_459 = arith.constant 1.000000e+00 : f32
          %jit3A_460 = arith.constant 0.000000e+00 : f32
          %broadcast_in_dim3A_461 = vector.broadcast %jit3A_459 : f32 to vector<16xf32>
          %broadcast_in_dim3A_462 = vector.broadcast %jit3A_460 : f32 to vector<16xf32>
          %select_n3A_463 = arith.select %and3A_424, %broadcast_in_dim3A_461, %broadcast_in_dim3A_462 : vector<16xi1>, vector<16xf32>
          %mul3A_464 = arith.constant 16 : i32
          %mul3A_465 = arith.muli %scan3A_405, %mul3A_464 : i32
          %swap3A_466 = arith.index_cast %mul3A_465 : i32 to index
          %swap3A_467 = tpu.vector_load %arg12[%swap3A_466] {strides = array<i32>} : memref<3200xf32, #tpu.memory_space<vmem>>, vector<16xf32>,
          %swap3A_468 = vector.shape_cast %swap3A_467 : vector<16xf32> to vector<16xf32>
          %swap3A_469 = vector.shape_cast %select_n3A_463 : vector<16xf32> to vector<16xf32>
          tpu.vector_store %arg12[%swap3A_466], %swap3A_469 {strides = array<i32>} : memref<3200xf32, #tpu.memory_space<vmem>>, vector<16xf32>,
          %scan3A_470 = arith.constant 0 : i32
          scf.yield %scan3A_470 : i32
        }
        %scan3A_105 = arith.constant 200 : i32
        "tpu.region"() ({
          %run_scoped3A = tpu.sem_alloc : memref<!tpu.dma_semaphore, #tpu.memory_space<semaphore_mem>>
          %dma_start3A_146 = arith.constant 0 : i32
          %dma_start3A_147 = tpu.memref_slice %arg6[%dma_start3A_146] : memref<1777664xf32, #tpu.memory_space<vmem_shared>> -> memref<1777664xf32, #tpu.memory_space<vmem_shared>>
          tpu.enqueue_indirect_dma source(%arg12 : memref<3200xf32, #tpu.memory_space<vmem>>) target(%dma_start3A_147 : memref<1777664xf32, #tpu.memory_space<vmem_shared>>) offsets(%arg11 : memref<3200xi32, #tpu.memory_space<vmem>>) semaphore(%run_scoped3A : memref<!tpu.dma_semaphore, #tpu.memory_space<semaphore_mem>>) {add = true}
          %dma_wait3A_148 = arith.constant 0 : i32
          %dma_wait3A_149 = tpu.memref_slice %arg6[%dma_wait3A_148] : memref<1777664xf32, #tpu.memory_space<vmem_shared>> -> memref<1777664xf32, #tpu.memory_space<vmem_shared>>
          tpu.wait_indirect_dma semaphore(%run_scoped3A : memref<!tpu.dma_semaphore, #tpu.memory_space<semaphore_mem>>) src(%arg12 : memref<3200xf32, #tpu.memory_space<vmem>>) dst(%dma_wait3A_149 : memref<1777664xf32, #tpu.memory_space<vmem_shared>>)
          tpu.yield
        }) : () -> ()
        %scan3A_106 = arith.constant 0 : i32
        %scan3A_107 = arith.constant 1 : i32
        %mul3A_108 = arith.constant 2 : i32
        %mul3A_109 = arith.muli %scan3A_74, %mul3A_108 : i32
        %add3A_110 = arith.constant 1 : i32
        %add3A_111 = arith.addi %mul3A_109, %add3A_110 : i32
        %dma_wait3A_112 = arith.constant 0 : i32
        %dma_wait3A_113 = tpu.memref_slice %arg2[%dma_wait3A_112] : memref<2000000xi32, #tpu.memory_space<hbm>> -> memref<3200xi32, #tpu.memory_space<hbm>>
        %dma_wait3A_114 = arith.constant 0 : i32
        %dma_wait3A_115 = tpu.memref_slice %arg2[%dma_wait3A_114] : memref<2000000xi32, #tpu.memory_space<hbm>> -> memref<3200xi32, #tpu.memory_space<hbm>>
        tpu.wait_dma2 semaphore(%arg14 : memref<!tpu.dma_semaphore, #tpu.memory_space<semaphore_mem>>) src(%dma_wait3A_115 : memref<3200xi32, #tpu.memory_space<hbm>>) dst(%arg8 : memref<3200xi32, #tpu.memory_space<vmem>>)
        %dma_wait3A_116 = arith.constant 0 : i32
        %dma_wait3A_117 = tpu.memref_slice %arg3[%dma_wait3A_116] : memref<2000000xi32, #tpu.memory_space<hbm>> -> memref<3200xi32, #tpu.memory_space<hbm>>
        %dma_wait3A_118 = arith.constant 0 : i32
        %dma_wait3A_119 = tpu.memref_slice %arg3[%dma_wait3A_118] : memref<2000000xi32, #tpu.memory_space<hbm>> -> memref<3200xi32, #tpu.memory_space<hbm>>
        tpu.wait_dma2 semaphore(%arg16 : memref<!tpu.dma_semaphore, #tpu.memory_space<semaphore_mem>>) src(%dma_wait3A_119 : memref<3200xi32, #tpu.memory_space<hbm>>) dst(%arg10 : memref<3200xi32, #tpu.memory_space<vmem>>)
        %lt3A_120 = arith.constant 39 : i32
        %lt3A_121 = arith.cmpi slt, %add3A_111, %lt3A_120 : i32
        %convert_element_type3A_122 = arith.extui %lt3A_121 : i1 to i32
        %cond3A_123 = arith.constant 0 : i32
        %cond3A_124 = arith.cmpi ne, %convert_element_type3A_122, %cond3A_123 : i32
        scf.if %cond3A_124 {
          %add3A_146 = arith.constant 1 : i32
          %add3A_147 = arith.addi %add3A_111, %add3A_146 : i32
          %mul3A_148 = arith.constant 16 : i32
          %mul3A_149 = arith.muli %add3A_147, %mul3A_148 : i32
          %add3A_150 = arith.addi %arg1, %mul3A_149 : i32
          %min3A_151 = arith.constant 624 : i32
          %min3A_152 = arith.minsi %add3A_150, %min3A_151 : i32
          %mul3A_153 = arith.constant 3200 : i32
          %mul3A_154 = arith.muli %min3A_152, %mul3A_153 : i32
          %dma_start3A_155 = tpu.memref_slice %arg2[%mul3A_154] : memref<2000000xi32, #tpu.memory_space<hbm>> -> memref<3200xi32, #tpu.memory_space<hbm>>
          %dma_start3A_156 = tpu.memref_slice %arg2[%mul3A_154] : memref<2000000xi32, #tpu.memory_space<hbm>> -> memref<3200xi32, #tpu.memory_space<hbm>>
          tpu.enqueue_dma source(%dma_start3A_156 : memref<3200xi32, #tpu.memory_space<hbm>>) target(%arg7 : memref<3200xi32, #tpu.memory_space<vmem>>) target_semaphore(%arg13 : memref<!tpu.dma_semaphore, #tpu.memory_space<semaphore_mem>>)
          %dma_start3A_157 = tpu.memref_slice %arg3[%mul3A_154] : memref<2000000xi32, #tpu.memory_space<hbm>> -> memref<3200xi32, #tpu.memory_space<hbm>>
          %dma_start3A_158 = tpu.memref_slice %arg3[%mul3A_154] : memref<2000000xi32, #tpu.memory_space<hbm>> -> memref<3200xi32, #tpu.memory_space<hbm>>
          tpu.enqueue_dma source(%dma_start3A_158 : memref<3200xi32, #tpu.memory_space<hbm>>) target(%arg9 : memref<3200xi32, #tpu.memory_space<vmem>>) target_semaphore(%arg15 : memref<!tpu.dma_semaphore, #tpu.memory_space<semaphore_mem>>)
        } else {
        }
        %mul3A_125 = arith.constant 16 : i32
        %mul3A_126 = arith.muli %add3A_111, %mul3A_125 : i32
        %add3A_127 = arith.addi %arg1, %mul3A_126 : i32
        %lt3A_128 = arith.constant 625 : i32
        %lt3A_129 = arith.cmpi slt, %add3A_127, %lt3A_128 : i32
        %convert_element_type3A_130 = arith.extui %lt3A_129 : i1 to i32
        %sub3A_131 = arith.subi %add3A_51, %mul3A_41 : i32
        %mul3A_132 = arith.muli %sub3A_131, %convert_element_type3A_130 : i32
        %add3A_133 = arith.addi %mul3A_41, %mul3A_132 : i32
        %scan3A_134 = arith.constant 0 : i32
        %scan3A_135 = arith.constant 0 : i32
        %scan3A_136 = arith.constant 0 : i32
        %scan3A_137 = arith.constant 0 : i32
        %scan3A_138 = arith.constant 200 : i32
        %scan3A_139 = arith.addi %scan3A_137, %scan3A_138 : i32
        %scan3A_140 = arith.constant 5 : i32
        %scan3A_141 = scf.for %scan3A_146 = %scan3A_137 to %scan3A_139 step %scan3A_140 iter_args(%scan3A_147 = %scan3A_136) -> (i32)  : i32 {
          %mul3A_148 = arith.constant 200 : i32
          %mul3A_149 = arith.muli %scan3A_135, %mul3A_148 : i32
          %add3A_150 = arith.addi %mul3A_149, %scan3A_146 : i32
          %mul3A_151 = arith.constant 16 : i32
          %mul3A_152 = arith.muli %add3A_150, %mul3A_151 : i32
          %get3A = arith.index_cast %mul3A_152 : i32 to index
          %get3A_153 = tpu.vector_load %arg8[%get3A] {strides = array<i32>} : memref<3200xi32, #tpu.memory_space<vmem>>, vector<16xi32>,
          %get3A_154 = vector.shape_cast %get3A_153 : vector<16xi32> to vector<16xi32>
          %get3A_155 = arith.index_cast %mul3A_152 : i32 to index
          %get3A_156 = tpu.vector_load %arg10[%get3A_155] {strides = array<i32>} : memref<3200xi32, #tpu.memory_space<vmem>>, vector<16xi32>,
          %get3A_157 = vector.shape_cast %get3A_156 : vector<16xi32> to vector<16xi32>
          %sub3A_158 = vector.broadcast %mul3A_41 : i32 to vector<16xi32>
          %sub3A_159 = arith.subi %get3A_154, %sub3A_158 : vector<16xi32>
          %ge3A = arith.constant 0 : i32
          %ge3A_160 = vector.broadcast %ge3A : i32 to vector<16xi32>
          %ge3A_161 = arith.cmpi sge, %sub3A_159, %ge3A_160 : vector<16xi32>
          %lt3A_162 = vector.broadcast %add3A_133 : i32 to vector<16xi32>
          %lt3A_163 = arith.cmpi slt, %get3A_154, %lt3A_162 : vector<16xi32>
          %and3A = arith.andi %ge3A_161, %lt3A_163 : vector<16xi1>
          %mul3A_164 = arith.constant 4096 : i32
          %mul3A_165 = arith.muli %arg1, %mul3A_164 : i32
          %jit3A = arith.constant 64 : i32
          %eq3A = arith.constant 0 : i32
          %eq3A_166 = arith.cmpi eq, %jit3A, %eq3A : i32
          %jit3A_167 = arith.constant 1 : i32
          %select_n3A = arith.select %eq3A_166, %jit3A_167, %jit3A : i32
          %rem3A = arith.remsi %scan3A_146, %select_n3A : i32
          %ne3A = arith.constant 0 : i32
          %ne3A_168 = arith.cmpi ne, %rem3A, %ne3A : i32
          %lt3A_169 = arith.constant 0 : i32
          %lt3A_170 = arith.cmpi slt, %rem3A, %lt3A_169 : i32
          %lt3A_171 = arith.constant 0 : i32
          %lt3A_172 = arith.cmpi slt, %select_n3A, %lt3A_171 : i32
          %ne3A_173 = arith.xori %lt3A_170, %lt3A_172 : i1
          %and3A_174 = arith.andi %ne3A_173, %ne3A_168 : i1
          %add3A_175 = arith.addi %rem3A, %select_n3A : i32
          %select_n3A_176 = arith.select %and3A_174, %add3A_175, %rem3A : i32
          %mul3A_177 = arith.constant 16 : i32
          %mul3A_178 = arith.muli %select_n3A_176, %mul3A_177 : i32
          %add3A_179 = arith.addi %mul3A_165, %mul3A_178 : i32
          %add3A_180 = vector.broadcast %add3A_179 : i32 to vector<16xi32>
          %add3A_181 = arith.addi %add3A_180, %iota3A : vector<16xi32>
          %mul3A_182 = arith.constant 8192 : i32
          %mul3A_183 = vector.broadcast %mul3A_182 : i32 to vector<16xi32>
          %mul3A_184 = arith.muli %sub3A_159, %mul3A_183 : vector<16xi32>
          %add3A_185 = arith.addi %mul3A_184, %get3A_157 : vector<16xi32>
          %select_n3A_186 = arith.select %and3A, %add3A_185, %add3A_181 : vector<16xi1>, vector<16xi32>
          %mul3A_187 = arith.constant 16 : i32
          %mul3A_188 = arith.muli %scan3A_146, %mul3A_187 : i32
          %swap3A = arith.index_cast %mul3A_188 : i32 to index
          %swap3A_189 = tpu.vector_load %arg11[%swap3A] {strides = array<i32>} : memref<3200xi32, #tpu.memory_space<vmem>>, vector<16xi32>,
          %swap3A_190 = vector.shape_cast %swap3A_189 : vector<16xi32> to vector<16xi32>
          %swap3A_191 = vector.shape_cast %select_n3A_186 : vector<16xi32> to vector<16xi32>
          tpu.vector_store %arg11[%swap3A], %swap3A_191 {strides = array<i32>} : memref<3200xi32, #tpu.memory_space<vmem>>, vector<16xi32>,
          %jit3A_192 = arith.constant 1.000000e+00 : f32
          %jit3A_193 = arith.constant 0.000000e+00 : f32
          %broadcast_in_dim3A = vector.broadcast %jit3A_192 : f32 to vector<16xf32>
          %broadcast_in_dim3A_194 = vector.broadcast %jit3A_193 : f32 to vector<16xf32>
          %select_n3A_195 = arith.select %and3A, %broadcast_in_dim3A, %broadcast_in_dim3A_194 : vector<16xi1>, vector<16xf32>
          %mul3A_196 = arith.constant 16 : i32
          %mul3A_197 = arith.muli %scan3A_146, %mul3A_196 : i32
          %swap3A_198 = arith.index_cast %mul3A_197 : i32 to index
          %swap3A_199 = tpu.vector_load %arg12[%swap3A_198] {strides = array<i32>} : memref<3200xf32, #tpu.memory_space<vmem>>, vector<16xf32>,
          %swap3A_200 = vector.shape_cast %swap3A_199 : vector<16xf32> to vector<16xf32>
          %swap3A_201 = vector.shape_cast %select_n3A_195 : vector<16xf32> to vector<16xf32>
          tpu.vector_store %arg12[%swap3A_198], %swap3A_201 {strides = array<i32>} : memref<3200xf32, #tpu.memory_space<vmem>>, vector<16xf32>,
          %scan3A_202 = arith.constant 0 : i32
          %scan3A_203 = arith.constant 1 : i32
          %scan3A_204 = arith.addi %scan3A_146, %scan3A_203 : i32
          %mul3A_205 = arith.constant 200 : i32
          %mul3A_206 = arith.muli %scan3A_135, %mul3A_205 : i32
          %add3A_207 = arith.addi %mul3A_206, %scan3A_204 : i32
          %mul3A_208 = arith.constant 16 : i32
          %mul3A_209 = arith.muli %add3A_207, %mul3A_208 : i32
          %get3A_210 = arith.index_cast %mul3A_209 : i32 to index
          %get3A_211 = tpu.vector_load %arg8[%get3A_210] {strides = array<i32>} : memref<3200xi32, #tpu.memory_space<vmem>>, vector<16xi32>,
          %get3A_212 = vector.shape_cast %get3A_211 : vector<16xi32> to vector<16xi32>
          %get3A_213 = arith.index_cast %mul3A_209 : i32 to index
          %get3A_214 = tpu.vector_load %arg10[%get3A_213] {strides = array<i32>} : memref<3200xi32, #tpu.memory_space<vmem>>, vector<16xi32>,
          %get3A_215 = vector.shape_cast %get3A_214 : vector<16xi32> to vector<16xi32>
          %sub3A_216 = vector.broadcast %mul3A_41 : i32 to vector<16xi32>
          %sub3A_217 = arith.subi %get3A_212, %sub3A_216 : vector<16xi32>
          %ge3A_218 = arith.constant 0 : i32
          %ge3A_219 = vector.broadcast %ge3A_218 : i32 to vector<16xi32>
          %ge3A_220 = arith.cmpi sge, %sub3A_217, %ge3A_219 : vector<16xi32>
          %lt3A_221 = vector.broadcast %add3A_133 : i32 to vector<16xi32>
          %lt3A_222 = arith.cmpi slt, %get3A_212, %lt3A_221 : vector<16xi32>
          %and3A_223 = arith.andi %ge3A_220, %lt3A_222 : vector<16xi1>
          %mul3A_224 = arith.constant 4096 : i32
          %mul3A_225 = arith.muli %arg1, %mul3A_224 : i32
          %jit3A_226 = arith.constant 64 : i32
          %eq3A_227 = arith.constant 0 : i32
          %eq3A_228 = arith.cmpi eq, %jit3A_226, %eq3A_227 : i32
          %jit3A_229 = arith.constant 1 : i32
          %select_n3A_230 = arith.select %eq3A_228, %jit3A_229, %jit3A_226 : i32
          %rem3A_231 = arith.remsi %scan3A_204, %select_n3A_230 : i32
          %ne3A_232 = arith.constant 0 : i32
          %ne3A_233 = arith.cmpi ne, %rem3A_231, %ne3A_232 : i32
          %lt3A_234 = arith.constant 0 : i32
          %lt3A_235 = arith.cmpi slt, %rem3A_231, %lt3A_234 : i32
          %lt3A_236 = arith.constant 0 : i32
          %lt3A_237 = arith.cmpi slt, %select_n3A_230, %lt3A_236 : i32
          %ne3A_238 = arith.xori %lt3A_235, %lt3A_237 : i1
          %and3A_239 = arith.andi %ne3A_238, %ne3A_233 : i1
          %add3A_240 = arith.addi %rem3A_231, %select_n3A_230 : i32
          %select_n3A_241 = arith.select %and3A_239, %add3A_240, %rem3A_231 : i32
          %mul3A_242 = arith.constant 16 : i32
          %mul3A_243 = arith.muli %select_n3A_241, %mul3A_242 : i32
          %add3A_244 = arith.addi %mul3A_225, %mul3A_243 : i32
          %add3A_245 = vector.broadcast %add3A_244 : i32 to vector<16xi32>
          %add3A_246 = arith.addi %add3A_245, %iota3A : vector<16xi32>
          %mul3A_247 = arith.constant 8192 : i32
          %mul3A_248 = vector.broadcast %mul3A_247 : i32 to vector<16xi32>
          %mul3A_249 = arith.muli %sub3A_217, %mul3A_248 : vector<16xi32>
          %add3A_250 = arith.addi %mul3A_249, %get3A_215 : vector<16xi32>
          %select_n3A_251 = arith.select %and3A_223, %add3A_250, %add3A_246 : vector<16xi1>, vector<16xi32>
          %mul3A_252 = arith.constant 16 : i32
          %mul3A_253 = arith.muli %scan3A_204, %mul3A_252 : i32
          %swap3A_254 = arith.index_cast %mul3A_253 : i32 to index
          %swap3A_255 = tpu.vector_load %arg11[%swap3A_254] {strides = array<i32>} : memref<3200xi32, #tpu.memory_space<vmem>>, vector<16xi32>,
          %swap3A_256 = vector.shape_cast %swap3A_255 : vector<16xi32> to vector<16xi32>
          %swap3A_257 = vector.shape_cast %select_n3A_251 : vector<16xi32> to vector<16xi32>
          tpu.vector_store %arg11[%swap3A_254], %swap3A_257 {strides = array<i32>} : memref<3200xi32, #tpu.memory_space<vmem>>, vector<16xi32>,
          %jit3A_258 = arith.constant 1.000000e+00 : f32
          %jit3A_259 = arith.constant 0.000000e+00 : f32
          %broadcast_in_dim3A_260 = vector.broadcast %jit3A_258 : f32 to vector<16xf32>
          %broadcast_in_dim3A_261 = vector.broadcast %jit3A_259 : f32 to vector<16xf32>
          %select_n3A_262 = arith.select %and3A_223, %broadcast_in_dim3A_260, %broadcast_in_dim3A_261 : vector<16xi1>, vector<16xf32>
          %mul3A_263 = arith.constant 16 : i32
          %mul3A_264 = arith.muli %scan3A_204, %mul3A_263 : i32
          %swap3A_265 = arith.index_cast %mul3A_264 : i32 to index
          %swap3A_266 = tpu.vector_load %arg12[%swap3A_265] {strides = array<i32>} : memref<3200xf32, #tpu.memory_space<vmem>>, vector<16xf32>,
          %swap3A_267 = vector.shape_cast %swap3A_266 : vector<16xf32> to vector<16xf32>
          %swap3A_268 = vector.shape_cast %select_n3A_262 : vector<16xf32> to vector<16xf32>
          tpu.vector_store %arg12[%swap3A_265], %swap3A_268 {strides = array<i32>} : memref<3200xf32, #tpu.memory_space<vmem>>, vector<16xf32>,
          %scan3A_269 = arith.constant 0 : i32
          %scan3A_270 = arith.constant 2 : i32
          %scan3A_271 = arith.addi %scan3A_146, %scan3A_270 : i32
          %mul3A_272 = arith.constant 200 : i32
          %mul3A_273 = arith.muli %scan3A_135, %mul3A_272 : i32
          %add3A_274 = arith.addi %mul3A_273, %scan3A_271 : i32
          %mul3A_275 = arith.constant 16 : i32
          %mul3A_276 = arith.muli %add3A_274, %mul3A_275 : i32
          %get3A_277 = arith.index_cast %mul3A_276 : i32 to index
          %get3A_278 = tpu.vector_load %arg8[%get3A_277] {strides = array<i32>} : memref<3200xi32, #tpu.memory_space<vmem>>, vector<16xi32>,
          %get3A_279 = vector.shape_cast %get3A_278 : vector<16xi32> to vector<16xi32>
          %get3A_280 = arith.index_cast %mul3A_276 : i32 to index
          %get3A_281 = tpu.vector_load %arg10[%get3A_280] {strides = array<i32>} : memref<3200xi32, #tpu.memory_space<vmem>>, vector<16xi32>,
          %get3A_282 = vector.shape_cast %get3A_281 : vector<16xi32> to vector<16xi32>
          %sub3A_283 = vector.broadcast %mul3A_41 : i32 to vector<16xi32>
          %sub3A_284 = arith.subi %get3A_279, %sub3A_283 : vector<16xi32>
          %ge3A_285 = arith.constant 0 : i32
          %ge3A_286 = vector.broadcast %ge3A_285 : i32 to vector<16xi32>
          %ge3A_287 = arith.cmpi sge, %sub3A_284, %ge3A_286 : vector<16xi32>
          %lt3A_288 = vector.broadcast %add3A_133 : i32 to vector<16xi32>
          %lt3A_289 = arith.cmpi slt, %get3A_279, %lt3A_288 : vector<16xi32>
          %and3A_290 = arith.andi %ge3A_287, %lt3A_289 : vector<16xi1>
          %mul3A_291 = arith.constant 4096 : i32
          %mul3A_292 = arith.muli %arg1, %mul3A_291 : i32
          %jit3A_293 = arith.constant 64 : i32
          %eq3A_294 = arith.constant 0 : i32
          %eq3A_295 = arith.cmpi eq, %jit3A_293, %eq3A_294 : i32
          %jit3A_296 = arith.constant 1 : i32
          %select_n3A_297 = arith.select %eq3A_295, %jit3A_296, %jit3A_293 : i32
          %rem3A_298 = arith.remsi %scan3A_271, %select_n3A_297 : i32
          %ne3A_299 = arith.constant 0 : i32
          %ne3A_300 = arith.cmpi ne, %rem3A_298, %ne3A_299 : i32
          %lt3A_301 = arith.constant 0 : i32
          %lt3A_302 = arith.cmpi slt, %rem3A_298, %lt3A_301 : i32
          %lt3A_303 = arith.constant 0 : i32
          %lt3A_304 = arith.cmpi slt, %select_n3A_297, %lt3A_303 : i32
          %ne3A_305 = arith.xori %lt3A_302, %lt3A_304 : i1
          %and3A_306 = arith.andi %ne3A_305, %ne3A_300 : i1
          %add3A_307 = arith.addi %rem3A_298, %select_n3A_297 : i32
          %select_n3A_308 = arith.select %and3A_306, %add3A_307, %rem3A_298 : i32
          %mul3A_309 = arith.constant 16 : i32
          %mul3A_310 = arith.muli %select_n3A_308, %mul3A_309 : i32
          %add3A_311 = arith.addi %mul3A_292, %mul3A_310 : i32
          %add3A_312 = vector.broadcast %add3A_311 : i32 to vector<16xi32>
          %add3A_313 = arith.addi %add3A_312, %iota3A : vector<16xi32>
          %mul3A_314 = arith.constant 8192 : i32
          %mul3A_315 = vector.broadcast %mul3A_314 : i32 to vector<16xi32>
          %mul3A_316 = arith.muli %sub3A_284, %mul3A_315 : vector<16xi32>
          %add3A_317 = arith.addi %mul3A_316, %get3A_282 : vector<16xi32>
          %select_n3A_318 = arith.select %and3A_290, %add3A_317, %add3A_313 : vector<16xi1>, vector<16xi32>
          %mul3A_319 = arith.constant 16 : i32
          %mul3A_320 = arith.muli %scan3A_271, %mul3A_319 : i32
          %swap3A_321 = arith.index_cast %mul3A_320 : i32 to index
          %swap3A_322 = tpu.vector_load %arg11[%swap3A_321] {strides = array<i32>} : memref<3200xi32, #tpu.memory_space<vmem>>, vector<16xi32>,
          %swap3A_323 = vector.shape_cast %swap3A_322 : vector<16xi32> to vector<16xi32>
          %swap3A_324 = vector.shape_cast %select_n3A_318 : vector<16xi32> to vector<16xi32>
          tpu.vector_store %arg11[%swap3A_321], %swap3A_324 {strides = array<i32>} : memref<3200xi32, #tpu.memory_space<vmem>>, vector<16xi32>,
          %jit3A_325 = arith.constant 1.000000e+00 : f32
          %jit3A_326 = arith.constant 0.000000e+00 : f32
          %broadcast_in_dim3A_327 = vector.broadcast %jit3A_325 : f32 to vector<16xf32>
          %broadcast_in_dim3A_328 = vector.broadcast %jit3A_326 : f32 to vector<16xf32>
          %select_n3A_329 = arith.select %and3A_290, %broadcast_in_dim3A_327, %broadcast_in_dim3A_328 : vector<16xi1>, vector<16xf32>
          %mul3A_330 = arith.constant 16 : i32
          %mul3A_331 = arith.muli %scan3A_271, %mul3A_330 : i32
          %swap3A_332 = arith.index_cast %mul3A_331 : i32 to index
          %swap3A_333 = tpu.vector_load %arg12[%swap3A_332] {strides = array<i32>} : memref<3200xf32, #tpu.memory_space<vmem>>, vector<16xf32>,
          %swap3A_334 = vector.shape_cast %swap3A_333 : vector<16xf32> to vector<16xf32>
          %swap3A_335 = vector.shape_cast %select_n3A_329 : vector<16xf32> to vector<16xf32>
          tpu.vector_store %arg12[%swap3A_332], %swap3A_335 {strides = array<i32>} : memref<3200xf32, #tpu.memory_space<vmem>>, vector<16xf32>,
          %scan3A_336 = arith.constant 0 : i32
          %scan3A_337 = arith.constant 3 : i32
          %scan3A_338 = arith.addi %scan3A_146, %scan3A_337 : i32
          %mul3A_339 = arith.constant 200 : i32
          %mul3A_340 = arith.muli %scan3A_135, %mul3A_339 : i32
          %add3A_341 = arith.addi %mul3A_340, %scan3A_338 : i32
          %mul3A_342 = arith.constant 16 : i32
          %mul3A_343 = arith.muli %add3A_341, %mul3A_342 : i32
          %get3A_344 = arith.index_cast %mul3A_343 : i32 to index
          %get3A_345 = tpu.vector_load %arg8[%get3A_344] {strides = array<i32>} : memref<3200xi32, #tpu.memory_space<vmem>>, vector<16xi32>,
          %get3A_346 = vector.shape_cast %get3A_345 : vector<16xi32> to vector<16xi32>
          %get3A_347 = arith.index_cast %mul3A_343 : i32 to index
          %get3A_348 = tpu.vector_load %arg10[%get3A_347] {strides = array<i32>} : memref<3200xi32, #tpu.memory_space<vmem>>, vector<16xi32>,
          %get3A_349 = vector.shape_cast %get3A_348 : vector<16xi32> to vector<16xi32>
          %sub3A_350 = vector.broadcast %mul3A_41 : i32 to vector<16xi32>
          %sub3A_351 = arith.subi %get3A_346, %sub3A_350 : vector<16xi32>
          %ge3A_352 = arith.constant 0 : i32
          %ge3A_353 = vector.broadcast %ge3A_352 : i32 to vector<16xi32>
          %ge3A_354 = arith.cmpi sge, %sub3A_351, %ge3A_353 : vector<16xi32>
          %lt3A_355 = vector.broadcast %add3A_133 : i32 to vector<16xi32>
          %lt3A_356 = arith.cmpi slt, %get3A_346, %lt3A_355 : vector<16xi32>
          %and3A_357 = arith.andi %ge3A_354, %lt3A_356 : vector<16xi1>
          %mul3A_358 = arith.constant 4096 : i32
          %mul3A_359 = arith.muli %arg1, %mul3A_358 : i32
          %jit3A_360 = arith.constant 64 : i32
          %eq3A_361 = arith.constant 0 : i32
          %eq3A_362 = arith.cmpi eq, %jit3A_360, %eq3A_361 : i32
          %jit3A_363 = arith.constant 1 : i32
          %select_n3A_364 = arith.select %eq3A_362, %jit3A_363, %jit3A_360 : i32
          %rem3A_365 = arith.remsi %scan3A_338, %select_n3A_364 : i32
          %ne3A_366 = arith.constant 0 : i32
          %ne3A_367 = arith.cmpi ne, %rem3A_365, %ne3A_366 : i32
          %lt3A_368 = arith.constant 0 : i32
          %lt3A_369 = arith.cmpi slt, %rem3A_365, %lt3A_368 : i32
          %lt3A_370 = arith.constant 0 : i32
          %lt3A_371 = arith.cmpi slt, %select_n3A_364, %lt3A_370 : i32
          %ne3A_372 = arith.xori %lt3A_369, %lt3A_371 : i1
          %and3A_373 = arith.andi %ne3A_372, %ne3A_367 : i1
          %add3A_374 = arith.addi %rem3A_365, %select_n3A_364 : i32
          %select_n3A_375 = arith.select %and3A_373, %add3A_374, %rem3A_365 : i32
          %mul3A_376 = arith.constant 16 : i32
          %mul3A_377 = arith.muli %select_n3A_375, %mul3A_376 : i32
          %add3A_378 = arith.addi %mul3A_359, %mul3A_377 : i32
          %add3A_379 = vector.broadcast %add3A_378 : i32 to vector<16xi32>
          %add3A_380 = arith.addi %add3A_379, %iota3A : vector<16xi32>
          %mul3A_381 = arith.constant 8192 : i32
          %mul3A_382 = vector.broadcast %mul3A_381 : i32 to vector<16xi32>
          %mul3A_383 = arith.muli %sub3A_351, %mul3A_382 : vector<16xi32>
          %add3A_384 = arith.addi %mul3A_383, %get3A_349 : vector<16xi32>
          %select_n3A_385 = arith.select %and3A_357, %add3A_384, %add3A_380 : vector<16xi1>, vector<16xi32>
          %mul3A_386 = arith.constant 16 : i32
          %mul3A_387 = arith.muli %scan3A_338, %mul3A_386 : i32
          %swap3A_388 = arith.index_cast %mul3A_387 : i32 to index
          %swap3A_389 = tpu.vector_load %arg11[%swap3A_388] {strides = array<i32>} : memref<3200xi32, #tpu.memory_space<vmem>>, vector<16xi32>,
          %swap3A_390 = vector.shape_cast %swap3A_389 : vector<16xi32> to vector<16xi32>
          %swap3A_391 = vector.shape_cast %select_n3A_385 : vector<16xi32> to vector<16xi32>
          tpu.vector_store %arg11[%swap3A_388], %swap3A_391 {strides = array<i32>} : memref<3200xi32, #tpu.memory_space<vmem>>, vector<16xi32>,
          %jit3A_392 = arith.constant 1.000000e+00 : f32
          %jit3A_393 = arith.constant 0.000000e+00 : f32
          %broadcast_in_dim3A_394 = vector.broadcast %jit3A_392 : f32 to vector<16xf32>
          %broadcast_in_dim3A_395 = vector.broadcast %jit3A_393 : f32 to vector<16xf32>
          %select_n3A_396 = arith.select %and3A_357, %broadcast_in_dim3A_394, %broadcast_in_dim3A_395 : vector<16xi1>, vector<16xf32>
          %mul3A_397 = arith.constant 16 : i32
          %mul3A_398 = arith.muli %scan3A_338, %mul3A_397 : i32
          %swap3A_399 = arith.index_cast %mul3A_398 : i32 to index
          %swap3A_400 = tpu.vector_load %arg12[%swap3A_399] {strides = array<i32>} : memref<3200xf32, #tpu.memory_space<vmem>>, vector<16xf32>,
          %swap3A_401 = vector.shape_cast %swap3A_400 : vector<16xf32> to vector<16xf32>
          %swap3A_402 = vector.shape_cast %select_n3A_396 : vector<16xf32> to vector<16xf32>
          tpu.vector_store %arg12[%swap3A_399], %swap3A_402 {strides = array<i32>} : memref<3200xf32, #tpu.memory_space<vmem>>, vector<16xf32>,
          %scan3A_403 = arith.constant 0 : i32
          %scan3A_404 = arith.constant 4 : i32
          %scan3A_405 = arith.addi %scan3A_146, %scan3A_404 : i32
          %mul3A_406 = arith.constant 200 : i32
          %mul3A_407 = arith.muli %scan3A_135, %mul3A_406 : i32
          %add3A_408 = arith.addi %mul3A_407, %scan3A_405 : i32
          %mul3A_409 = arith.constant 16 : i32
          %mul3A_410 = arith.muli %add3A_408, %mul3A_409 : i32
          %get3A_411 = arith.index_cast %mul3A_410 : i32 to index
          %get3A_412 = tpu.vector_load %arg8[%get3A_411] {strides = array<i32>} : memref<3200xi32, #tpu.memory_space<vmem>>, vector<16xi32>,
          %get3A_413 = vector.shape_cast %get3A_412 : vector<16xi32> to vector<16xi32>
          %get3A_414 = arith.index_cast %mul3A_410 : i32 to index
          %get3A_415 = tpu.vector_load %arg10[%get3A_414] {strides = array<i32>} : memref<3200xi32, #tpu.memory_space<vmem>>, vector<16xi32>,
          %get3A_416 = vector.shape_cast %get3A_415 : vector<16xi32> to vector<16xi32>
          %sub3A_417 = vector.broadcast %mul3A_41 : i32 to vector<16xi32>
          %sub3A_418 = arith.subi %get3A_413, %sub3A_417 : vector<16xi32>
          %ge3A_419 = arith.constant 0 : i32
          %ge3A_420 = vector.broadcast %ge3A_419 : i32 to vector<16xi32>
          %ge3A_421 = arith.cmpi sge, %sub3A_418, %ge3A_420 : vector<16xi32>
          %lt3A_422 = vector.broadcast %add3A_133 : i32 to vector<16xi32>
          %lt3A_423 = arith.cmpi slt, %get3A_413, %lt3A_422 : vector<16xi32>
          %and3A_424 = arith.andi %ge3A_421, %lt3A_423 : vector<16xi1>
          %mul3A_425 = arith.constant 4096 : i32
          %mul3A_426 = arith.muli %arg1, %mul3A_425 : i32
          %jit3A_427 = arith.constant 64 : i32
          %eq3A_428 = arith.constant 0 : i32
          %eq3A_429 = arith.cmpi eq, %jit3A_427, %eq3A_428 : i32
          %jit3A_430 = arith.constant 1 : i32
          %select_n3A_431 = arith.select %eq3A_429, %jit3A_430, %jit3A_427 : i32
          %rem3A_432 = arith.remsi %scan3A_405, %select_n3A_431 : i32
          %ne3A_433 = arith.constant 0 : i32
          %ne3A_434 = arith.cmpi ne, %rem3A_432, %ne3A_433 : i32
          %lt3A_435 = arith.constant 0 : i32
          %lt3A_436 = arith.cmpi slt, %rem3A_432, %lt3A_435 : i32
          %lt3A_437 = arith.constant 0 : i32
          %lt3A_438 = arith.cmpi slt, %select_n3A_431, %lt3A_437 : i32
          %ne3A_439 = arith.xori %lt3A_436, %lt3A_438 : i1
          %and3A_440 = arith.andi %ne3A_439, %ne3A_434 : i1
          %add3A_441 = arith.addi %rem3A_432, %select_n3A_431 : i32
          %select_n3A_442 = arith.select %and3A_440, %add3A_441, %rem3A_432 : i32
          %mul3A_443 = arith.constant 16 : i32
          %mul3A_444 = arith.muli %select_n3A_442, %mul3A_443 : i32
          %add3A_445 = arith.addi %mul3A_426, %mul3A_444 : i32
          %add3A_446 = vector.broadcast %add3A_445 : i32 to vector<16xi32>
          %add3A_447 = arith.addi %add3A_446, %iota3A : vector<16xi32>
          %mul3A_448 = arith.constant 8192 : i32
          %mul3A_449 = vector.broadcast %mul3A_448 : i32 to vector<16xi32>
          %mul3A_450 = arith.muli %sub3A_418, %mul3A_449 : vector<16xi32>
          %add3A_451 = arith.addi %mul3A_450, %get3A_416 : vector<16xi32>
          %select_n3A_452 = arith.select %and3A_424, %add3A_451, %add3A_447 : vector<16xi1>, vector<16xi32>
          %mul3A_453 = arith.constant 16 : i32
          %mul3A_454 = arith.muli %scan3A_405, %mul3A_453 : i32
          %swap3A_455 = arith.index_cast %mul3A_454 : i32 to index
          %swap3A_456 = tpu.vector_load %arg11[%swap3A_455] {strides = array<i32>} : memref<3200xi32, #tpu.memory_space<vmem>>, vector<16xi32>,
          %swap3A_457 = vector.shape_cast %swap3A_456 : vector<16xi32> to vector<16xi32>
          %swap3A_458 = vector.shape_cast %select_n3A_452 : vector<16xi32> to vector<16xi32>
          tpu.vector_store %arg11[%swap3A_455], %swap3A_458 {strides = array<i32>} : memref<3200xi32, #tpu.memory_space<vmem>>, vector<16xi32>,
          %jit3A_459 = arith.constant 1.000000e+00 : f32
          %jit3A_460 = arith.constant 0.000000e+00 : f32
          %broadcast_in_dim3A_461 = vector.broadcast %jit3A_459 : f32 to vector<16xf32>
          %broadcast_in_dim3A_462 = vector.broadcast %jit3A_460 : f32 to vector<16xf32>
          %select_n3A_463 = arith.select %and3A_424, %broadcast_in_dim3A_461, %broadcast_in_dim3A_462 : vector<16xi1>, vector<16xf32>
          %mul3A_464 = arith.constant 16 : i32
          %mul3A_465 = arith.muli %scan3A_405, %mul3A_464 : i32
          %swap3A_466 = arith.index_cast %mul3A_465 : i32 to index
          %swap3A_467 = tpu.vector_load %arg12[%swap3A_466] {strides = array<i32>} : memref<3200xf32, #tpu.memory_space<vmem>>, vector<16xf32>,
          %swap3A_468 = vector.shape_cast %swap3A_467 : vector<16xf32> to vector<16xf32>
          %swap3A_469 = vector.shape_cast %select_n3A_463 : vector<16xf32> to vector<16xf32>
          tpu.vector_store %arg12[%swap3A_466], %swap3A_469 {strides = array<i32>} : memref<3200xf32, #tpu.memory_space<vmem>>, vector<16xf32>,
          %scan3A_470 = arith.constant 0 : i32
          scf.yield %scan3A_470 : i32
        }
        %scan3A_142 = arith.constant 200 : i32
        "tpu.region"() ({
          %run_scoped3A = tpu.sem_alloc : memref<!tpu.dma_semaphore, #tpu.memory_space<semaphore_mem>>
          %dma_start3A_146 = arith.constant 0 : i32
          %dma_start3A_147 = tpu.memref_slice %arg6[%dma_start3A_146] : memref<1777664xf32, #tpu.memory_space<vmem_shared>> -> memref<1777664xf32, #tpu.memory_space<vmem_shared>>
          tpu.enqueue_indirect_dma source(%arg12 : memref<3200xf32, #tpu.memory_space<vmem>>) target(%dma_start3A_147 : memref<1777664xf32, #tpu.memory_space<vmem_shared>>) offsets(%arg11 : memref<3200xi32, #tpu.memory_space<vmem>>) semaphore(%run_scoped3A : memref<!tpu.dma_semaphore, #tpu.memory_space<semaphore_mem>>) {add = true}
          %dma_wait3A_148 = arith.constant 0 : i32
          %dma_wait3A_149 = tpu.memref_slice %arg6[%dma_wait3A_148] : memref<1777664xf32, #tpu.memory_space<vmem_shared>> -> memref<1777664xf32, #tpu.memory_space<vmem_shared>>
          tpu.wait_indirect_dma semaphore(%run_scoped3A : memref<!tpu.dma_semaphore, #tpu.memory_space<semaphore_mem>>) src(%arg12 : memref<3200xf32, #tpu.memory_space<vmem>>) dst(%dma_wait3A_149 : memref<1777664xf32, #tpu.memory_space<vmem_shared>>)
          tpu.yield
        }) : () -> ()
        %scan3A_143 = arith.constant 0 : i32
        %scan3A_144 = arith.constant 1 : i32
        %scan3A_145 = arith.constant 0 : i32
        scf.yield %scan3A_145 : i32
      }
      %scan3A_68 = arith.constant 20 : i32
      %barrier3A_69 = arith.constant 0 : index
      tpu.barrier barrier_id(%barrier3A_69)
      %mul3A_70 = arith.constant 111104 : i32
      %mul3A_71 = arith.muli %arg1, %mul3A_70 : i32
      "tpu.region"() ({
        %run_scoped3A = tpu.sem_alloc : memref<!tpu.dma_semaphore, #tpu.memory_space<semaphore_mem>>
        %dma_start3A_74 = tpu.memref_slice %arg5[%add3A_46] : memref<67108864xf32, #tpu.memory_space<hbm>> -> memref<111104xf32, #tpu.memory_space<hbm>>
        %dma_start3A_75 = tpu.memref_slice %arg6[%mul3A_71] : memref<1777664xf32, #tpu.memory_space<vmem_shared>> -> memref<111104xf32, #tpu.memory_space<vmem_shared>>
        tpu.enqueue_dma source(%dma_start3A_75 : memref<111104xf32, #tpu.memory_space<vmem_shared>>) target(%dma_start3A_74 : memref<111104xf32, #tpu.memory_space<hbm>>) target_semaphore(%run_scoped3A : memref<!tpu.dma_semaphore, #tpu.memory_space<semaphore_mem>>)
        %dma_wait3A = tpu.memref_slice %arg5[%add3A_46] : memref<67108864xf32, #tpu.memory_space<hbm>> -> memref<111104xf32, #tpu.memory_space<hbm>>
        %dma_wait3A_76 = tpu.memref_slice %arg6[%mul3A_71] : memref<1777664xf32, #tpu.memory_space<vmem_shared>> -> memref<111104xf32, #tpu.memory_space<vmem_shared>>
        tpu.wait_dma2 semaphore(%run_scoped3A : memref<!tpu.dma_semaphore, #tpu.memory_space<semaphore_mem>>) src(%dma_wait3A_76 : memref<111104xf32, #tpu.memory_space<vmem_shared>>) dst(%dma_wait3A : memref<111104xf32, #tpu.memory_space<hbm>>)
        tpu.yield
      }) : () -> ()
      %barrier3A_72 = arith.constant 0 : index
      tpu.barrier barrier_id(%barrier3A_72)
      %scan3A_73 = arith.constant 0 : i32
      scf.yield %scan3A_73 : i32
    }
    %scan3A_5 = arith.constant 18 : i32
    %mul3A = arith.constant 190 : i32
    %mul3A_6 = arith.muli %arg0, %mul3A : i32
    %add3A = arith.constant 7812 : i32
    %add3A_7 = arith.addi %add3A, %mul3A_6 : i32
    %mul3A_8 = arith.constant 8192 : i32
    %mul3A_9 = arith.muli %add3A_7, %mul3A_8 : i32
    %mul3A_10 = arith.constant 97280 : i32
    %mul3A_11 = arith.muli %arg1, %mul3A_10 : i32
    %add3A_12 = arith.addi %mul3A_9, %mul3A_11 : i32
    %mul3A_13 = arith.constant 97280 : i32
    %mul3A_14 = arith.muli %arg1, %mul3A_13 : i32
    "tpu.region"() ({
      %run_scoped3A = tpu.sem_alloc : memref<!tpu.dma_semaphore, #tpu.memory_space<semaphore_mem>>
      %dma_start3A_35 = tpu.memref_slice %arg6[%mul3A_14] : memref<1777664xf32, #tpu.memory_space<vmem_shared>> -> memref<97280xf32, #tpu.memory_space<vmem_shared>>
      %dma_start3A_36 = tpu.memref_slice %arg4[%add3A_12] : memref<67108864xf32, #tpu.memory_space<hbm>> -> memref<97280xf32, #tpu.memory_space<hbm>>
      tpu.enqueue_dma source(%dma_start3A_36 : memref<97280xf32, #tpu.memory_space<hbm>>) target(%dma_start3A_35 : memref<97280xf32, #tpu.memory_space<vmem_shared>>) target_semaphore(%run_scoped3A : memref<!tpu.dma_semaphore, #tpu.memory_space<semaphore_mem>>)
      %dma_wait3A = tpu.memref_slice %arg6[%mul3A_14] : memref<1777664xf32, #tpu.memory_space<vmem_shared>> -> memref<97280xf32, #tpu.memory_space<vmem_shared>>
      %dma_wait3A_37 = tpu.memref_slice %arg4[%add3A_12] : memref<67108864xf32, #tpu.memory_space<hbm>> -> memref<97280xf32, #tpu.memory_space<hbm>>
      tpu.wait_dma2 semaphore(%run_scoped3A : memref<!tpu.dma_semaphore, #tpu.memory_space<semaphore_mem>>) src(%dma_wait3A_37 : memref<97280xf32, #tpu.memory_space<hbm>>) dst(%dma_wait3A : memref<97280xf32, #tpu.memory_space<vmem_shared>>)
      tpu.yield
    }) : () -> ()
    %barrier3A = arith.constant 0 : index
    tpu.barrier barrier_id(%barrier3A)
    %add3A_15 = arith.constant 190 : i32
    %add3A_16 = arith.addi %add3A_7, %add3A_15 : i32
    %add3A_17 = arith.constant 0 : i32
    %add3A_18 = arith.addi %arg1, %add3A_17 : i32
    %min3A = arith.constant 624 : i32
    %min3A_19 = arith.minsi %add3A_18, %min3A : i32
    %mul3A_20 = arith.constant 3200 : i32
    %mul3A_21 = arith.muli %min3A_19, %mul3A_20 : i32
    %dma_start3A = tpu.memref_slice %arg2[%mul3A_21] : memref<2000000xi32, #tpu.memory_space<hbm>> -> memref<3200xi32, #tpu.memory_space<hbm>>
    %dma_start3A_22 = tpu.memref_slice %arg2[%mul3A_21] : memref<2000000xi32, #tpu.memory_space<hbm>> -> memref<3200xi32, #tpu.memory_space<hbm>>
    tpu.enqueue_dma source(%dma_start3A_22 : memref<3200xi32, #tpu.memory_space<hbm>>) target(%arg7 : memref<3200xi32, #tpu.memory_space<vmem>>) target_semaphore(%arg13 : memref<!tpu.dma_semaphore, #tpu.memory_space<semaphore_mem>>)
    %dma_start3A_23 = tpu.memref_slice %arg3[%mul3A_21] : memref<2000000xi32, #tpu.memory_space<hbm>> -> memref<3200xi32, #tpu.memory_space<hbm>>
    %dma_start3A_24 = tpu.memref_slice %arg3[%mul3A_21] : memref<2000000xi32, #tpu.memory_space<hbm>> -> memref<3200xi32, #tpu.memory_space<hbm>>
    tpu.enqueue_dma source(%dma_start3A_24 : memref<3200xi32, #tpu.memory_space<hbm>>) target(%arg9 : memref<3200xi32, #tpu.memory_space<vmem>>) target_semaphore(%arg15 : memref<!tpu.dma_semaphore, #tpu.memory_space<semaphore_mem>>)
    %scan3A_25 = arith.constant 0 : i32
    %scan3A_26 = arith.constant 0 : i32
    %scan3A_27 = arith.constant 20 : i32
    %scan3A_28 = arith.addi %scan3A_26, %scan3A_27 : i32
    %scan3A_29 = arith.constant 1 : i32
    %scan3A_30 = scf.for %scan3A_35 = %scan3A_26 to %scan3A_28 step %scan3A_29 iter_args(%scan3A_36 = %scan3A_25) -> (i32)  : i32 {
      %mul3A_37 = arith.constant 2 : i32
      %mul3A_38 = arith.muli %scan3A_35, %mul3A_37 : i32
      %add3A_39 = arith.constant 0 : i32
      %add3A_40 = arith.addi %mul3A_38, %add3A_39 : i32
      %dma_wait3A = arith.constant 0 : i32
      %dma_wait3A_41 = tpu.memref_slice %arg2[%dma_wait3A] : memref<2000000xi32, #tpu.memory_space<hbm>> -> memref<3200xi32, #tpu.memory_space<hbm>>
      %dma_wait3A_42 = arith.constant 0 : i32
      %dma_wait3A_43 = tpu.memref_slice %arg2[%dma_wait3A_42] : memref<2000000xi32, #tpu.memory_space<hbm>> -> memref<3200xi32, #tpu.memory_space<hbm>>
      tpu.wait_dma2 semaphore(%arg13 : memref<!tpu.dma_semaphore, #tpu.memory_space<semaphore_mem>>) src(%dma_wait3A_43 : memref<3200xi32, #tpu.memory_space<hbm>>) dst(%arg7 : memref<3200xi32, #tpu.memory_space<vmem>>)
      %dma_wait3A_44 = arith.constant 0 : i32
      %dma_wait3A_45 = tpu.memref_slice %arg3[%dma_wait3A_44] : memref<2000000xi32, #tpu.memory_space<hbm>> -> memref<3200xi32, #tpu.memory_space<hbm>>
      %dma_wait3A_46 = arith.constant 0 : i32
      %dma_wait3A_47 = tpu.memref_slice %arg3[%dma_wait3A_46] : memref<2000000xi32, #tpu.memory_space<hbm>> -> memref<3200xi32, #tpu.memory_space<hbm>>
      tpu.wait_dma2 semaphore(%arg15 : memref<!tpu.dma_semaphore, #tpu.memory_space<semaphore_mem>>) src(%dma_wait3A_47 : memref<3200xi32, #tpu.memory_space<hbm>>) dst(%arg9 : memref<3200xi32, #tpu.memory_space<vmem>>)
      %lt3A = arith.constant 39 : i32
      %lt3A_48 = arith.cmpi slt, %add3A_40, %lt3A : i32
      %convert_element_type3A = arith.extui %lt3A_48 : i1 to i32
      %cond3A = arith.constant 0 : i32
      %cond3A_49 = arith.cmpi ne, %convert_element_type3A, %cond3A : i32
      scf.if %cond3A_49 {
        %add3A_107 = arith.constant 1 : i32
        %add3A_108 = arith.addi %add3A_40, %add3A_107 : i32
        %mul3A_109 = arith.constant 16 : i32
        %mul3A_110 = arith.muli %add3A_108, %mul3A_109 : i32
        %add3A_111 = arith.addi %arg1, %mul3A_110 : i32
        %min3A_112 = arith.constant 624 : i32
        %min3A_113 = arith.minsi %add3A_111, %min3A_112 : i32
        %mul3A_114 = arith.constant 3200 : i32
        %mul3A_115 = arith.muli %min3A_113, %mul3A_114 : i32
        %dma_start3A_116 = tpu.memref_slice %arg2[%mul3A_115] : memref<2000000xi32, #tpu.memory_space<hbm>> -> memref<3200xi32, #tpu.memory_space<hbm>>
        %dma_start3A_117 = tpu.memref_slice %arg2[%mul3A_115] : memref<2000000xi32, #tpu.memory_space<hbm>> -> memref<3200xi32, #tpu.memory_space<hbm>>
        tpu.enqueue_dma source(%dma_start3A_117 : memref<3200xi32, #tpu.memory_space<hbm>>) target(%arg8 : memref<3200xi32, #tpu.memory_space<vmem>>) target_semaphore(%arg14 : memref<!tpu.dma_semaphore, #tpu.memory_space<semaphore_mem>>)
        %dma_start3A_118 = tpu.memref_slice %arg3[%mul3A_115] : memref<2000000xi32, #tpu.memory_space<hbm>> -> memref<3200xi32, #tpu.memory_space<hbm>>
        %dma_start3A_119 = tpu.memref_slice %arg3[%mul3A_115] : memref<2000000xi32, #tpu.memory_space<hbm>> -> memref<3200xi32, #tpu.memory_space<hbm>>
        tpu.enqueue_dma source(%dma_start3A_119 : memref<3200xi32, #tpu.memory_space<hbm>>) target(%arg10 : memref<3200xi32, #tpu.memory_space<vmem>>) target_semaphore(%arg16 : memref<!tpu.dma_semaphore, #tpu.memory_space<semaphore_mem>>)
      } else {
      }
      %mul3A_50 = arith.constant 16 : i32
      %mul3A_51 = arith.muli %add3A_40, %mul3A_50 : i32
      %add3A_52 = arith.addi %arg1, %mul3A_51 : i32
      %lt3A_53 = arith.constant 625 : i32
      %lt3A_54 = arith.cmpi slt, %add3A_52, %lt3A_53 : i32
      %convert_element_type3A_55 = arith.extui %lt3A_54 : i1 to i32
      %sub3A = arith.subi %add3A_16, %add3A_7 : i32
      %mul3A_56 = arith.muli %sub3A, %convert_element_type3A_55 : i32
      %add3A_57 = arith.addi %add3A_7, %mul3A_56 : i32
      %scan3A_58 = arith.constant 0 : i32
      %scan3A_59 = arith.constant 0 : i32
      %scan3A_60 = arith.constant 0 : i32
      %scan3A_61 = arith.constant 0 : i32
      %scan3A_62 = arith.constant 200 : i32
      %scan3A_63 = arith.addi %scan3A_61, %scan3A_62 : i32
      %scan3A_64 = arith.constant 5 : i32
      %scan3A_65 = scf.for %scan3A_107 = %scan3A_61 to %scan3A_63 step %scan3A_64 iter_args(%scan3A_108 = %scan3A_60) -> (i32)  : i32 {
        %mul3A_109 = arith.constant 200 : i32
        %mul3A_110 = arith.muli %scan3A_59, %mul3A_109 : i32
        %add3A_111 = arith.addi %mul3A_110, %scan3A_107 : i32
        %mul3A_112 = arith.constant 16 : i32
        %mul3A_113 = arith.muli %add3A_111, %mul3A_112 : i32
        %get3A = arith.index_cast %mul3A_113 : i32 to index
        %get3A_114 = tpu.vector_load %arg7[%get3A] {strides = array<i32>} : memref<3200xi32, #tpu.memory_space<vmem>>, vector<16xi32>,
        %get3A_115 = vector.shape_cast %get3A_114 : vector<16xi32> to vector<16xi32>
        %get3A_116 = arith.index_cast %mul3A_113 : i32 to index
        %get3A_117 = tpu.vector_load %arg9[%get3A_116] {strides = array<i32>} : memref<3200xi32, #tpu.memory_space<vmem>>, vector<16xi32>,
        %get3A_118 = vector.shape_cast %get3A_117 : vector<16xi32> to vector<16xi32>
        %sub3A_119 = vector.broadcast %add3A_7 : i32 to vector<16xi32>
        %sub3A_120 = arith.subi %get3A_115, %sub3A_119 : vector<16xi32>
        %ge3A = arith.constant 0 : i32
        %ge3A_121 = vector.broadcast %ge3A : i32 to vector<16xi32>
        %ge3A_122 = arith.cmpi sge, %sub3A_120, %ge3A_121 : vector<16xi32>
        %lt3A_123 = vector.broadcast %add3A_57 : i32 to vector<16xi32>
        %lt3A_124 = arith.cmpi slt, %get3A_115, %lt3A_123 : vector<16xi32>
        %and3A = arith.andi %ge3A_122, %lt3A_124 : vector<16xi1>
        %mul3A_125 = arith.constant 4096 : i32
        %mul3A_126 = arith.muli %arg1, %mul3A_125 : i32
        %jit3A = arith.constant 64 : i32
        %eq3A = arith.constant 0 : i32
        %eq3A_127 = arith.cmpi eq, %jit3A, %eq3A : i32
        %jit3A_128 = arith.constant 1 : i32
        %select_n3A = arith.select %eq3A_127, %jit3A_128, %jit3A : i32
        %rem3A = arith.remsi %scan3A_107, %select_n3A : i32
        %ne3A = arith.constant 0 : i32
        %ne3A_129 = arith.cmpi ne, %rem3A, %ne3A : i32
        %lt3A_130 = arith.constant 0 : i32
        %lt3A_131 = arith.cmpi slt, %rem3A, %lt3A_130 : i32
        %lt3A_132 = arith.constant 0 : i32
        %lt3A_133 = arith.cmpi slt, %select_n3A, %lt3A_132 : i32
        %ne3A_134 = arith.xori %lt3A_131, %lt3A_133 : i1
        %and3A_135 = arith.andi %ne3A_134, %ne3A_129 : i1
        %add3A_136 = arith.addi %rem3A, %select_n3A : i32
        %select_n3A_137 = arith.select %and3A_135, %add3A_136, %rem3A : i32
        %mul3A_138 = arith.constant 16 : i32
        %mul3A_139 = arith.muli %select_n3A_137, %mul3A_138 : i32
        %add3A_140 = arith.addi %mul3A_126, %mul3A_139 : i32
        %add3A_141 = vector.broadcast %add3A_140 : i32 to vector<16xi32>
        %add3A_142 = arith.addi %add3A_141, %iota3A : vector<16xi32>
        %mul3A_143 = arith.constant 8192 : i32
        %mul3A_144 = vector.broadcast %mul3A_143 : i32 to vector<16xi32>
        %mul3A_145 = arith.muli %sub3A_120, %mul3A_144 : vector<16xi32>
        %add3A_146 = arith.addi %mul3A_145, %get3A_118 : vector<16xi32>
        %select_n3A_147 = arith.select %and3A, %add3A_146, %add3A_142 : vector<16xi1>, vector<16xi32>
        %mul3A_148 = arith.constant 16 : i32
        %mul3A_149 = arith.muli %scan3A_107, %mul3A_148 : i32
        %swap3A = arith.index_cast %mul3A_149 : i32 to index
        %swap3A_150 = tpu.vector_load %arg11[%swap3A] {strides = array<i32>} : memref<3200xi32, #tpu.memory_space<vmem>>, vector<16xi32>,
        %swap3A_151 = vector.shape_cast %swap3A_150 : vector<16xi32> to vector<16xi32>
        %swap3A_152 = vector.shape_cast %select_n3A_147 : vector<16xi32> to vector<16xi32>
        tpu.vector_store %arg11[%swap3A], %swap3A_152 {strides = array<i32>} : memref<3200xi32, #tpu.memory_space<vmem>>, vector<16xi32>,
        %jit3A_153 = arith.constant 1.000000e+00 : f32
        %jit3A_154 = arith.constant 0.000000e+00 : f32
        %broadcast_in_dim3A = vector.broadcast %jit3A_153 : f32 to vector<16xf32>
        %broadcast_in_dim3A_155 = vector.broadcast %jit3A_154 : f32 to vector<16xf32>
        %select_n3A_156 = arith.select %and3A, %broadcast_in_dim3A, %broadcast_in_dim3A_155 : vector<16xi1>, vector<16xf32>
        %mul3A_157 = arith.constant 16 : i32
        %mul3A_158 = arith.muli %scan3A_107, %mul3A_157 : i32
        %swap3A_159 = arith.index_cast %mul3A_158 : i32 to index
        %swap3A_160 = tpu.vector_load %arg12[%swap3A_159] {strides = array<i32>} : memref<3200xf32, #tpu.memory_space<vmem>>, vector<16xf32>,
        %swap3A_161 = vector.shape_cast %swap3A_160 : vector<16xf32> to vector<16xf32>
        %swap3A_162 = vector.shape_cast %select_n3A_156 : vector<16xf32> to vector<16xf32>
        tpu.vector_store %arg12[%swap3A_159], %swap3A_162 {strides = array<i32>} : memref<3200xf32, #tpu.memory_space<vmem>>, vector<16xf32>,
        %scan3A_163 = arith.constant 0 : i32
        %scan3A_164 = arith.constant 1 : i32
        %scan3A_165 = arith.addi %scan3A_107, %scan3A_164 : i32
        %mul3A_166 = arith.constant 200 : i32
        %mul3A_167 = arith.muli %scan3A_59, %mul3A_166 : i32
        %add3A_168 = arith.addi %mul3A_167, %scan3A_165 : i32
        %mul3A_169 = arith.constant 16 : i32
        %mul3A_170 = arith.muli %add3A_168, %mul3A_169 : i32
        %get3A_171 = arith.index_cast %mul3A_170 : i32 to index
        %get3A_172 = tpu.vector_load %arg7[%get3A_171] {strides = array<i32>} : memref<3200xi32, #tpu.memory_space<vmem>>, vector<16xi32>,
        %get3A_173 = vector.shape_cast %get3A_172 : vector<16xi32> to vector<16xi32>
        %get3A_174 = arith.index_cast %mul3A_170 : i32 to index
        %get3A_175 = tpu.vector_load %arg9[%get3A_174] {strides = array<i32>} : memref<3200xi32, #tpu.memory_space<vmem>>, vector<16xi32>,
        %get3A_176 = vector.shape_cast %get3A_175 : vector<16xi32> to vector<16xi32>
        %sub3A_177 = vector.broadcast %add3A_7 : i32 to vector<16xi32>
        %sub3A_178 = arith.subi %get3A_173, %sub3A_177 : vector<16xi32>
        %ge3A_179 = arith.constant 0 : i32
        %ge3A_180 = vector.broadcast %ge3A_179 : i32 to vector<16xi32>
        %ge3A_181 = arith.cmpi sge, %sub3A_178, %ge3A_180 : vector<16xi32>
        %lt3A_182 = vector.broadcast %add3A_57 : i32 to vector<16xi32>
        %lt3A_183 = arith.cmpi slt, %get3A_173, %lt3A_182 : vector<16xi32>
        %and3A_184 = arith.andi %ge3A_181, %lt3A_183 : vector<16xi1>
        %mul3A_185 = arith.constant 4096 : i32
        %mul3A_186 = arith.muli %arg1, %mul3A_185 : i32
        %jit3A_187 = arith.constant 64 : i32
        %eq3A_188 = arith.constant 0 : i32
        %eq3A_189 = arith.cmpi eq, %jit3A_187, %eq3A_188 : i32
        %jit3A_190 = arith.constant 1 : i32
        %select_n3A_191 = arith.select %eq3A_189, %jit3A_190, %jit3A_187 : i32
        %rem3A_192 = arith.remsi %scan3A_165, %select_n3A_191 : i32
        %ne3A_193 = arith.constant 0 : i32
        %ne3A_194 = arith.cmpi ne, %rem3A_192, %ne3A_193 : i32
        %lt3A_195 = arith.constant 0 : i32
        %lt3A_196 = arith.cmpi slt, %rem3A_192, %lt3A_195 : i32
        %lt3A_197 = arith.constant 0 : i32
        %lt3A_198 = arith.cmpi slt, %select_n3A_191, %lt3A_197 : i32
        %ne3A_199 = arith.xori %lt3A_196, %lt3A_198 : i1
        %and3A_200 = arith.andi %ne3A_199, %ne3A_194 : i1
        %add3A_201 = arith.addi %rem3A_192, %select_n3A_191 : i32
        %select_n3A_202 = arith.select %and3A_200, %add3A_201, %rem3A_192 : i32
        %mul3A_203 = arith.constant 16 : i32
        %mul3A_204 = arith.muli %select_n3A_202, %mul3A_203 : i32
        %add3A_205 = arith.addi %mul3A_186, %mul3A_204 : i32
        %add3A_206 = vector.broadcast %add3A_205 : i32 to vector<16xi32>
        %add3A_207 = arith.addi %add3A_206, %iota3A : vector<16xi32>
        %mul3A_208 = arith.constant 8192 : i32
        %mul3A_209 = vector.broadcast %mul3A_208 : i32 to vector<16xi32>
        %mul3A_210 = arith.muli %sub3A_178, %mul3A_209 : vector<16xi32>
        %add3A_211 = arith.addi %mul3A_210, %get3A_176 : vector<16xi32>
        %select_n3A_212 = arith.select %and3A_184, %add3A_211, %add3A_207 : vector<16xi1>, vector<16xi32>
        %mul3A_213 = arith.constant 16 : i32
        %mul3A_214 = arith.muli %scan3A_165, %mul3A_213 : i32
        %swap3A_215 = arith.index_cast %mul3A_214 : i32 to index
        %swap3A_216 = tpu.vector_load %arg11[%swap3A_215] {strides = array<i32>} : memref<3200xi32, #tpu.memory_space<vmem>>, vector<16xi32>,
        %swap3A_217 = vector.shape_cast %swap3A_216 : vector<16xi32> to vector<16xi32>
        %swap3A_218 = vector.shape_cast %select_n3A_212 : vector<16xi32> to vector<16xi32>
        tpu.vector_store %arg11[%swap3A_215], %swap3A_218 {strides = array<i32>} : memref<3200xi32, #tpu.memory_space<vmem>>, vector<16xi32>,
        %jit3A_219 = arith.constant 1.000000e+00 : f32
        %jit3A_220 = arith.constant 0.000000e+00 : f32
        %broadcast_in_dim3A_221 = vector.broadcast %jit3A_219 : f32 to vector<16xf32>
        %broadcast_in_dim3A_222 = vector.broadcast %jit3A_220 : f32 to vector<16xf32>
        %select_n3A_223 = arith.select %and3A_184, %broadcast_in_dim3A_221, %broadcast_in_dim3A_222 : vector<16xi1>, vector<16xf32>
        %mul3A_224 = arith.constant 16 : i32
        %mul3A_225 = arith.muli %scan3A_165, %mul3A_224 : i32
        %swap3A_226 = arith.index_cast %mul3A_225 : i32 to index
        %swap3A_227 = tpu.vector_load %arg12[%swap3A_226] {strides = array<i32>} : memref<3200xf32, #tpu.memory_space<vmem>>, vector<16xf32>,
        %swap3A_228 = vector.shape_cast %swap3A_227 : vector<16xf32> to vector<16xf32>
        %swap3A_229 = vector.shape_cast %select_n3A_223 : vector<16xf32> to vector<16xf32>
        tpu.vector_store %arg12[%swap3A_226], %swap3A_229 {strides = array<i32>} : memref<3200xf32, #tpu.memory_space<vmem>>, vector<16xf32>,
        %scan3A_230 = arith.constant 0 : i32
        %scan3A_231 = arith.constant 2 : i32
        %scan3A_232 = arith.addi %scan3A_107, %scan3A_231 : i32
        %mul3A_233 = arith.constant 200 : i32
        %mul3A_234 = arith.muli %scan3A_59, %mul3A_233 : i32
        %add3A_235 = arith.addi %mul3A_234, %scan3A_232 : i32
        %mul3A_236 = arith.constant 16 : i32
        %mul3A_237 = arith.muli %add3A_235, %mul3A_236 : i32
        %get3A_238 = arith.index_cast %mul3A_237 : i32 to index
        %get3A_239 = tpu.vector_load %arg7[%get3A_238] {strides = array<i32>} : memref<3200xi32, #tpu.memory_space<vmem>>, vector<16xi32>,
        %get3A_240 = vector.shape_cast %get3A_239 : vector<16xi32> to vector<16xi32>
        %get3A_241 = arith.index_cast %mul3A_237 : i32 to index
        %get3A_242 = tpu.vector_load %arg9[%get3A_241] {strides = array<i32>} : memref<3200xi32, #tpu.memory_space<vmem>>, vector<16xi32>,
        %get3A_243 = vector.shape_cast %get3A_242 : vector<16xi32> to vector<16xi32>
        %sub3A_244 = vector.broadcast %add3A_7 : i32 to vector<16xi32>
        %sub3A_245 = arith.subi %get3A_240, %sub3A_244 : vector<16xi32>
        %ge3A_246 = arith.constant 0 : i32
        %ge3A_247 = vector.broadcast %ge3A_246 : i32 to vector<16xi32>
        %ge3A_248 = arith.cmpi sge, %sub3A_245, %ge3A_247 : vector<16xi32>
        %lt3A_249 = vector.broadcast %add3A_57 : i32 to vector<16xi32>
        %lt3A_250 = arith.cmpi slt, %get3A_240, %lt3A_249 : vector<16xi32>
        %and3A_251 = arith.andi %ge3A_248, %lt3A_250 : vector<16xi1>
        %mul3A_252 = arith.constant 4096 : i32
        %mul3A_253 = arith.muli %arg1, %mul3A_252 : i32
        %jit3A_254 = arith.constant 64 : i32
        %eq3A_255 = arith.constant 0 : i32
        %eq3A_256 = arith.cmpi eq, %jit3A_254, %eq3A_255 : i32
        %jit3A_257 = arith.constant 1 : i32
        %select_n3A_258 = arith.select %eq3A_256, %jit3A_257, %jit3A_254 : i32
        %rem3A_259 = arith.remsi %scan3A_232, %select_n3A_258 : i32
        %ne3A_260 = arith.constant 0 : i32
        %ne3A_261 = arith.cmpi ne, %rem3A_259, %ne3A_260 : i32
        %lt3A_262 = arith.constant 0 : i32
        %lt3A_263 = arith.cmpi slt, %rem3A_259, %lt3A_262 : i32
        %lt3A_264 = arith.constant 0 : i32
        %lt3A_265 = arith.cmpi slt, %select_n3A_258, %lt3A_264 : i32
        %ne3A_266 = arith.xori %lt3A_263, %lt3A_265 : i1
        %and3A_267 = arith.andi %ne3A_266, %ne3A_261 : i1
        %add3A_268 = arith.addi %rem3A_259, %select_n3A_258 : i32
        %select_n3A_269 = arith.select %and3A_267, %add3A_268, %rem3A_259 : i32
        %mul3A_270 = arith.constant 16 : i32
        %mul3A_271 = arith.muli %select_n3A_269, %mul3A_270 : i32
        %add3A_272 = arith.addi %mul3A_253, %mul3A_271 : i32
        %add3A_273 = vector.broadcast %add3A_272 : i32 to vector<16xi32>
        %add3A_274 = arith.addi %add3A_273, %iota3A : vector<16xi32>
        %mul3A_275 = arith.constant 8192 : i32
        %mul3A_276 = vector.broadcast %mul3A_275 : i32 to vector<16xi32>
        %mul3A_277 = arith.muli %sub3A_245, %mul3A_276 : vector<16xi32>
        %add3A_278 = arith.addi %mul3A_277, %get3A_243 : vector<16xi32>
        %select_n3A_279 = arith.select %and3A_251, %add3A_278, %add3A_274 : vector<16xi1>, vector<16xi32>
        %mul3A_280 = arith.constant 16 : i32
        %mul3A_281 = arith.muli %scan3A_232, %mul3A_280 : i32
        %swap3A_282 = arith.index_cast %mul3A_281 : i32 to index
        %swap3A_283 = tpu.vector_load %arg11[%swap3A_282] {strides = array<i32>} : memref<3200xi32, #tpu.memory_space<vmem>>, vector<16xi32>,
        %swap3A_284 = vector.shape_cast %swap3A_283 : vector<16xi32> to vector<16xi32>
        %swap3A_285 = vector.shape_cast %select_n3A_279 : vector<16xi32> to vector<16xi32>
        tpu.vector_store %arg11[%swap3A_282], %swap3A_285 {strides = array<i32>} : memref<3200xi32, #tpu.memory_space<vmem>>, vector<16xi32>,
        %jit3A_286 = arith.constant 1.000000e+00 : f32
        %jit3A_287 = arith.constant 0.000000e+00 : f32
        %broadcast_in_dim3A_288 = vector.broadcast %jit3A_286 : f32 to vector<16xf32>
        %broadcast_in_dim3A_289 = vector.broadcast %jit3A_287 : f32 to vector<16xf32>
        %select_n3A_290 = arith.select %and3A_251, %broadcast_in_dim3A_288, %broadcast_in_dim3A_289 : vector<16xi1>, vector<16xf32>
        %mul3A_291 = arith.constant 16 : i32
        %mul3A_292 = arith.muli %scan3A_232, %mul3A_291 : i32
        %swap3A_293 = arith.index_cast %mul3A_292 : i32 to index
        %swap3A_294 = tpu.vector_load %arg12[%swap3A_293] {strides = array<i32>} : memref<3200xf32, #tpu.memory_space<vmem>>, vector<16xf32>,
        %swap3A_295 = vector.shape_cast %swap3A_294 : vector<16xf32> to vector<16xf32>
        %swap3A_296 = vector.shape_cast %select_n3A_290 : vector<16xf32> to vector<16xf32>
        tpu.vector_store %arg12[%swap3A_293], %swap3A_296 {strides = array<i32>} : memref<3200xf32, #tpu.memory_space<vmem>>, vector<16xf32>,
        %scan3A_297 = arith.constant 0 : i32
        %scan3A_298 = arith.constant 3 : i32
        %scan3A_299 = arith.addi %scan3A_107, %scan3A_298 : i32
        %mul3A_300 = arith.constant 200 : i32
        %mul3A_301 = arith.muli %scan3A_59, %mul3A_300 : i32
        %add3A_302 = arith.addi %mul3A_301, %scan3A_299 : i32
        %mul3A_303 = arith.constant 16 : i32
        %mul3A_304 = arith.muli %add3A_302, %mul3A_303 : i32
        %get3A_305 = arith.index_cast %mul3A_304 : i32 to index
        %get3A_306 = tpu.vector_load %arg7[%get3A_305] {strides = array<i32>} : memref<3200xi32, #tpu.memory_space<vmem>>, vector<16xi32>,
        %get3A_307 = vector.shape_cast %get3A_306 : vector<16xi32> to vector<16xi32>
        %get3A_308 = arith.index_cast %mul3A_304 : i32 to index
        %get3A_309 = tpu.vector_load %arg9[%get3A_308] {strides = array<i32>} : memref<3200xi32, #tpu.memory_space<vmem>>, vector<16xi32>,
        %get3A_310 = vector.shape_cast %get3A_309 : vector<16xi32> to vector<16xi32>
        %sub3A_311 = vector.broadcast %add3A_7 : i32 to vector<16xi32>
        %sub3A_312 = arith.subi %get3A_307, %sub3A_311 : vector<16xi32>
        %ge3A_313 = arith.constant 0 : i32
        %ge3A_314 = vector.broadcast %ge3A_313 : i32 to vector<16xi32>
        %ge3A_315 = arith.cmpi sge, %sub3A_312, %ge3A_314 : vector<16xi32>
        %lt3A_316 = vector.broadcast %add3A_57 : i32 to vector<16xi32>
        %lt3A_317 = arith.cmpi slt, %get3A_307, %lt3A_316 : vector<16xi32>
        %and3A_318 = arith.andi %ge3A_315, %lt3A_317 : vector<16xi1>
        %mul3A_319 = arith.constant 4096 : i32
        %mul3A_320 = arith.muli %arg1, %mul3A_319 : i32
        %jit3A_321 = arith.constant 64 : i32
        %eq3A_322 = arith.constant 0 : i32
        %eq3A_323 = arith.cmpi eq, %jit3A_321, %eq3A_322 : i32
        %jit3A_324 = arith.constant 1 : i32
        %select_n3A_325 = arith.select %eq3A_323, %jit3A_324, %jit3A_321 : i32
        %rem3A_326 = arith.remsi %scan3A_299, %select_n3A_325 : i32
        %ne3A_327 = arith.constant 0 : i32
        %ne3A_328 = arith.cmpi ne, %rem3A_326, %ne3A_327 : i32
        %lt3A_329 = arith.constant 0 : i32
        %lt3A_330 = arith.cmpi slt, %rem3A_326, %lt3A_329 : i32
        %lt3A_331 = arith.constant 0 : i32
        %lt3A_332 = arith.cmpi slt, %select_n3A_325, %lt3A_331 : i32
        %ne3A_333 = arith.xori %lt3A_330, %lt3A_332 : i1
        %and3A_334 = arith.andi %ne3A_333, %ne3A_328 : i1
        %add3A_335 = arith.addi %rem3A_326, %select_n3A_325 : i32
        %select_n3A_336 = arith.select %and3A_334, %add3A_335, %rem3A_326 : i32
        %mul3A_337 = arith.constant 16 : i32
        %mul3A_338 = arith.muli %select_n3A_336, %mul3A_337 : i32
        %add3A_339 = arith.addi %mul3A_320, %mul3A_338 : i32
        %add3A_340 = vector.broadcast %add3A_339 : i32 to vector<16xi32>
        %add3A_341 = arith.addi %add3A_340, %iota3A : vector<16xi32>
        %mul3A_342 = arith.constant 8192 : i32
        %mul3A_343 = vector.broadcast %mul3A_342 : i32 to vector<16xi32>
        %mul3A_344 = arith.muli %sub3A_312, %mul3A_343 : vector<16xi32>
        %add3A_345 = arith.addi %mul3A_344, %get3A_310 : vector<16xi32>
        %select_n3A_346 = arith.select %and3A_318, %add3A_345, %add3A_341 : vector<16xi1>, vector<16xi32>
        %mul3A_347 = arith.constant 16 : i32
        %mul3A_348 = arith.muli %scan3A_299, %mul3A_347 : i32
        %swap3A_349 = arith.index_cast %mul3A_348 : i32 to index
        %swap3A_350 = tpu.vector_load %arg11[%swap3A_349] {strides = array<i32>} : memref<3200xi32, #tpu.memory_space<vmem>>, vector<16xi32>,
        %swap3A_351 = vector.shape_cast %swap3A_350 : vector<16xi32> to vector<16xi32>
        %swap3A_352 = vector.shape_cast %select_n3A_346 : vector<16xi32> to vector<16xi32>
        tpu.vector_store %arg11[%swap3A_349], %swap3A_352 {strides = array<i32>} : memref<3200xi32, #tpu.memory_space<vmem>>, vector<16xi32>,
        %jit3A_353 = arith.constant 1.000000e+00 : f32
        %jit3A_354 = arith.constant 0.000000e+00 : f32
        %broadcast_in_dim3A_355 = vector.broadcast %jit3A_353 : f32 to vector<16xf32>
        %broadcast_in_dim3A_356 = vector.broadcast %jit3A_354 : f32 to vector<16xf32>
        %select_n3A_357 = arith.select %and3A_318, %broadcast_in_dim3A_355, %broadcast_in_dim3A_356 : vector<16xi1>, vector<16xf32>
        %mul3A_358 = arith.constant 16 : i32
        %mul3A_359 = arith.muli %scan3A_299, %mul3A_358 : i32
        %swap3A_360 = arith.index_cast %mul3A_359 : i32 to index
        %swap3A_361 = tpu.vector_load %arg12[%swap3A_360] {strides = array<i32>} : memref<3200xf32, #tpu.memory_space<vmem>>, vector<16xf32>,
        %swap3A_362 = vector.shape_cast %swap3A_361 : vector<16xf32> to vector<16xf32>
        %swap3A_363 = vector.shape_cast %select_n3A_357 : vector<16xf32> to vector<16xf32>
        tpu.vector_store %arg12[%swap3A_360], %swap3A_363 {strides = array<i32>} : memref<3200xf32, #tpu.memory_space<vmem>>, vector<16xf32>,
        %scan3A_364 = arith.constant 0 : i32
        %scan3A_365 = arith.constant 4 : i32
        %scan3A_366 = arith.addi %scan3A_107, %scan3A_365 : i32
        %mul3A_367 = arith.constant 200 : i32
        %mul3A_368 = arith.muli %scan3A_59, %mul3A_367 : i32
        %add3A_369 = arith.addi %mul3A_368, %scan3A_366 : i32
        %mul3A_370 = arith.constant 16 : i32
        %mul3A_371 = arith.muli %add3A_369, %mul3A_370 : i32
        %get3A_372 = arith.index_cast %mul3A_371 : i32 to index
        %get3A_373 = tpu.vector_load %arg7[%get3A_372] {strides = array<i32>} : memref<3200xi32, #tpu.memory_space<vmem>>, vector<16xi32>,
        %get3A_374 = vector.shape_cast %get3A_373 : vector<16xi32> to vector<16xi32>
        %get3A_375 = arith.index_cast %mul3A_371 : i32 to index
        %get3A_376 = tpu.vector_load %arg9[%get3A_375] {strides = array<i32>} : memref<3200xi32, #tpu.memory_space<vmem>>, vector<16xi32>,
        %get3A_377 = vector.shape_cast %get3A_376 : vector<16xi32> to vector<16xi32>
        %sub3A_378 = vector.broadcast %add3A_7 : i32 to vector<16xi32>
        %sub3A_379 = arith.subi %get3A_374, %sub3A_378 : vector<16xi32>
        %ge3A_380 = arith.constant 0 : i32
        %ge3A_381 = vector.broadcast %ge3A_380 : i32 to vector<16xi32>
        %ge3A_382 = arith.cmpi sge, %sub3A_379, %ge3A_381 : vector<16xi32>
        %lt3A_383 = vector.broadcast %add3A_57 : i32 to vector<16xi32>
        %lt3A_384 = arith.cmpi slt, %get3A_374, %lt3A_383 : vector<16xi32>
        %and3A_385 = arith.andi %ge3A_382, %lt3A_384 : vector<16xi1>
        %mul3A_386 = arith.constant 4096 : i32
        %mul3A_387 = arith.muli %arg1, %mul3A_386 : i32
        %jit3A_388 = arith.constant 64 : i32
        %eq3A_389 = arith.constant 0 : i32
        %eq3A_390 = arith.cmpi eq, %jit3A_388, %eq3A_389 : i32
        %jit3A_391 = arith.constant 1 : i32
        %select_n3A_392 = arith.select %eq3A_390, %jit3A_391, %jit3A_388 : i32
        %rem3A_393 = arith.remsi %scan3A_366, %select_n3A_392 : i32
        %ne3A_394 = arith.constant 0 : i32
        %ne3A_395 = arith.cmpi ne, %rem3A_393, %ne3A_394 : i32
        %lt3A_396 = arith.constant 0 : i32
        %lt3A_397 = arith.cmpi slt, %rem3A_393, %lt3A_396 : i32
        %lt3A_398 = arith.constant 0 : i32
        %lt3A_399 = arith.cmpi slt, %select_n3A_392, %lt3A_398 : i32
        %ne3A_400 = arith.xori %lt3A_397, %lt3A_399 : i1
        %and3A_401 = arith.andi %ne3A_400, %ne3A_395 : i1
        %add3A_402 = arith.addi %rem3A_393, %select_n3A_392 : i32
        %select_n3A_403 = arith.select %and3A_401, %add3A_402, %rem3A_393 : i32
        %mul3A_404 = arith.constant 16 : i32
        %mul3A_405 = arith.muli %select_n3A_403, %mul3A_404 : i32
        %add3A_406 = arith.addi %mul3A_387, %mul3A_405 : i32
        %add3A_407 = vector.broadcast %add3A_406 : i32 to vector<16xi32>
        %add3A_408 = arith.addi %add3A_407, %iota3A : vector<16xi32>
        %mul3A_409 = arith.constant 8192 : i32
        %mul3A_410 = vector.broadcast %mul3A_409 : i32 to vector<16xi32>
        %mul3A_411 = arith.muli %sub3A_379, %mul3A_410 : vector<16xi32>
        %add3A_412 = arith.addi %mul3A_411, %get3A_377 : vector<16xi32>
        %select_n3A_413 = arith.select %and3A_385, %add3A_412, %add3A_408 : vector<16xi1>, vector<16xi32>
        %mul3A_414 = arith.constant 16 : i32
        %mul3A_415 = arith.muli %scan3A_366, %mul3A_414 : i32
        %swap3A_416 = arith.index_cast %mul3A_415 : i32 to index
        %swap3A_417 = tpu.vector_load %arg11[%swap3A_416] {strides = array<i32>} : memref<3200xi32, #tpu.memory_space<vmem>>, vector<16xi32>,
        %swap3A_418 = vector.shape_cast %swap3A_417 : vector<16xi32> to vector<16xi32>
        %swap3A_419 = vector.shape_cast %select_n3A_413 : vector<16xi32> to vector<16xi32>
        tpu.vector_store %arg11[%swap3A_416], %swap3A_419 {strides = array<i32>} : memref<3200xi32, #tpu.memory_space<vmem>>, vector<16xi32>,
        %jit3A_420 = arith.constant 1.000000e+00 : f32
        %jit3A_421 = arith.constant 0.000000e+00 : f32
        %broadcast_in_dim3A_422 = vector.broadcast %jit3A_420 : f32 to vector<16xf32>
        %broadcast_in_dim3A_423 = vector.broadcast %jit3A_421 : f32 to vector<16xf32>
        %select_n3A_424 = arith.select %and3A_385, %broadcast_in_dim3A_422, %broadcast_in_dim3A_423 : vector<16xi1>, vector<16xf32>
        %mul3A_425 = arith.constant 16 : i32
        %mul3A_426 = arith.muli %scan3A_366, %mul3A_425 : i32
        %swap3A_427 = arith.index_cast %mul3A_426 : i32 to index
        %swap3A_428 = tpu.vector_load %arg12[%swap3A_427] {strides = array<i32>} : memref<3200xf32, #tpu.memory_space<vmem>>, vector<16xf32>,
        %swap3A_429 = vector.shape_cast %swap3A_428 : vector<16xf32> to vector<16xf32>
        %swap3A_430 = vector.shape_cast %select_n3A_424 : vector<16xf32> to vector<16xf32>
        tpu.vector_store %arg12[%swap3A_427], %swap3A_430 {strides = array<i32>} : memref<3200xf32, #tpu.memory_space<vmem>>, vector<16xf32>,
        %scan3A_431 = arith.constant 0 : i32
        scf.yield %scan3A_431 : i32
      }
      %scan3A_66 = arith.constant 200 : i32
      "tpu.region"() ({
        %run_scoped3A = tpu.sem_alloc : memref<!tpu.dma_semaphore, #tpu.memory_space<semaphore_mem>>
        %dma_start3A_107 = arith.constant 0 : i32
        %dma_start3A_108 = tpu.memref_slice %arg6[%dma_start3A_107] : memref<1777664xf32, #tpu.memory_space<vmem_shared>> -> memref<1777664xf32, #tpu.memory_space<vmem_shared>>
        tpu.enqueue_indirect_dma source(%arg12 : memref<3200xf32, #tpu.memory_space<vmem>>) target(%dma_start3A_108 : memref<1777664xf32, #tpu.memory_space<vmem_shared>>) offsets(%arg11 : memref<3200xi32, #tpu.memory_space<vmem>>) semaphore(%run_scoped3A : memref<!tpu.dma_semaphore, #tpu.memory_space<semaphore_mem>>) {add = true}
        %dma_wait3A_109 = arith.constant 0 : i32
        %dma_wait3A_110 = tpu.memref_slice %arg6[%dma_wait3A_109] : memref<1777664xf32, #tpu.memory_space<vmem_shared>> -> memref<1777664xf32, #tpu.memory_space<vmem_shared>>
        tpu.wait_indirect_dma semaphore(%run_scoped3A : memref<!tpu.dma_semaphore, #tpu.memory_space<semaphore_mem>>) src(%arg12 : memref<3200xf32, #tpu.memory_space<vmem>>) dst(%dma_wait3A_110 : memref<1777664xf32, #tpu.memory_space<vmem_shared>>)
        tpu.yield
      }) : () -> ()
      %scan3A_67 = arith.constant 0 : i32
      %scan3A_68 = arith.constant 1 : i32
      %mul3A_69 = arith.constant 2 : i32
      %mul3A_70 = arith.muli %scan3A_35, %mul3A_69 : i32
      %add3A_71 = arith.constant 1 : i32
      %add3A_72 = arith.addi %mul3A_70, %add3A_71 : i32
      %dma_wait3A_73 = arith.constant 0 : i32
      %dma_wait3A_74 = tpu.memref_slice %arg2[%dma_wait3A_73] : memref<2000000xi32, #tpu.memory_space<hbm>> -> memref<3200xi32, #tpu.memory_space<hbm>>
      %dma_wait3A_75 = arith.constant 0 : i32
      %dma_wait3A_76 = tpu.memref_slice %arg2[%dma_wait3A_75] : memref<2000000xi32, #tpu.memory_space<hbm>> -> memref<3200xi32, #tpu.memory_space<hbm>>
      tpu.wait_dma2 semaphore(%arg14 : memref<!tpu.dma_semaphore, #tpu.memory_space<semaphore_mem>>) src(%dma_wait3A_76 : memref<3200xi32, #tpu.memory_space<hbm>>) dst(%arg8 : memref<3200xi32, #tpu.memory_space<vmem>>)
      %dma_wait3A_77 = arith.constant 0 : i32
      %dma_wait3A_78 = tpu.memref_slice %arg3[%dma_wait3A_77] : memref<2000000xi32, #tpu.memory_space<hbm>> -> memref<3200xi32, #tpu.memory_space<hbm>>
      %dma_wait3A_79 = arith.constant 0 : i32
      %dma_wait3A_80 = tpu.memref_slice %arg3[%dma_wait3A_79] : memref<2000000xi32, #tpu.memory_space<hbm>> -> memref<3200xi32, #tpu.memory_space<hbm>>
      tpu.wait_dma2 semaphore(%arg16 : memref<!tpu.dma_semaphore, #tpu.memory_space<semaphore_mem>>) src(%dma_wait3A_80 : memref<3200xi32, #tpu.memory_space<hbm>>) dst(%arg10 : memref<3200xi32, #tpu.memory_space<vmem>>)
      %lt3A_81 = arith.constant 39 : i32
      %lt3A_82 = arith.cmpi slt, %add3A_72, %lt3A_81 : i32
      %convert_element_type3A_83 = arith.extui %lt3A_82 : i1 to i32
      %cond3A_84 = arith.constant 0 : i32
      %cond3A_85 = arith.cmpi ne, %convert_element_type3A_83, %cond3A_84 : i32
      scf.if %cond3A_85 {
        %add3A_107 = arith.constant 1 : i32
        %add3A_108 = arith.addi %add3A_72, %add3A_107 : i32
        %mul3A_109 = arith.constant 16 : i32
        %mul3A_110 = arith.muli %add3A_108, %mul3A_109 : i32
        %add3A_111 = arith.addi %arg1, %mul3A_110 : i32
        %min3A_112 = arith.constant 624 : i32
        %min3A_113 = arith.minsi %add3A_111, %min3A_112 : i32
        %mul3A_114 = arith.constant 3200 : i32
        %mul3A_115 = arith.muli %min3A_113, %mul3A_114 : i32
        %dma_start3A_116 = tpu.memref_slice %arg2[%mul3A_115] : memref<2000000xi32, #tpu.memory_space<hbm>> -> memref<3200xi32, #tpu.memory_space<hbm>>
        %dma_start3A_117 = tpu.memref_slice %arg2[%mul3A_115] : memref<2000000xi32, #tpu.memory_space<hbm>> -> memref<3200xi32, #tpu.memory_space<hbm>>
        tpu.enqueue_dma source(%dma_start3A_117 : memref<3200xi32, #tpu.memory_space<hbm>>) target(%arg7 : memref<3200xi32, #tpu.memory_space<vmem>>) target_semaphore(%arg13 : memref<!tpu.dma_semaphore, #tpu.memory_space<semaphore_mem>>)
        %dma_start3A_118 = tpu.memref_slice %arg3[%mul3A_115] : memref<2000000xi32, #tpu.memory_space<hbm>> -> memref<3200xi32, #tpu.memory_space<hbm>>
        %dma_start3A_119 = tpu.memref_slice %arg3[%mul3A_115] : memref<2000000xi32, #tpu.memory_space<hbm>> -> memref<3200xi32, #tpu.memory_space<hbm>>
        tpu.enqueue_dma source(%dma_start3A_119 : memref<3200xi32, #tpu.memory_space<hbm>>) target(%arg9 : memref<3200xi32, #tpu.memory_space<vmem>>) target_semaphore(%arg15 : memref<!tpu.dma_semaphore, #tpu.memory_space<semaphore_mem>>)
      } else {
      }
      %mul3A_86 = arith.constant 16 : i32
      %mul3A_87 = arith.muli %add3A_72, %mul3A_86 : i32
      %add3A_88 = arith.addi %arg1, %mul3A_87 : i32
      %lt3A_89 = arith.constant 625 : i32
      %lt3A_90 = arith.cmpi slt, %add3A_88, %lt3A_89 : i32
      %convert_element_type3A_91 = arith.extui %lt3A_90 : i1 to i32
      %sub3A_92 = arith.subi %add3A_16, %add3A_7 : i32
      %mul3A_93 = arith.muli %sub3A_92, %convert_element_type3A_91 : i32
      %add3A_94 = arith.addi %add3A_7, %mul3A_93 : i32
      %scan3A_95 = arith.constant 0 : i32
      %scan3A_96 = arith.constant 0 : i32
      %scan3A_97 = arith.constant 0 : i32
      %scan3A_98 = arith.constant 0 : i32
      %scan3A_99 = arith.constant 200 : i32
      %scan3A_100 = arith.addi %scan3A_98, %scan3A_99 : i32
      %scan3A_101 = arith.constant 5 : i32
      %scan3A_102 = scf.for %scan3A_107 = %scan3A_98 to %scan3A_100 step %scan3A_101 iter_args(%scan3A_108 = %scan3A_97) -> (i32)  : i32 {
        %mul3A_109 = arith.constant 200 : i32
        %mul3A_110 = arith.muli %scan3A_96, %mul3A_109 : i32
        %add3A_111 = arith.addi %mul3A_110, %scan3A_107 : i32
        %mul3A_112 = arith.constant 16 : i32
        %mul3A_113 = arith.muli %add3A_111, %mul3A_112 : i32
        %get3A = arith.index_cast %mul3A_113 : i32 to index
        %get3A_114 = tpu.vector_load %arg8[%get3A] {strides = array<i32>} : memref<3200xi32, #tpu.memory_space<vmem>>, vector<16xi32>,
        %get3A_115 = vector.shape_cast %get3A_114 : vector<16xi32> to vector<16xi32>
        %get3A_116 = arith.index_cast %mul3A_113 : i32 to index
        %get3A_117 = tpu.vector_load %arg10[%get3A_116] {strides = array<i32>} : memref<3200xi32, #tpu.memory_space<vmem>>, vector<16xi32>,
        %get3A_118 = vector.shape_cast %get3A_117 : vector<16xi32> to vector<16xi32>
        %sub3A_119 = vector.broadcast %add3A_7 : i32 to vector<16xi32>
        %sub3A_120 = arith.subi %get3A_115, %sub3A_119 : vector<16xi32>
        %ge3A = arith.constant 0 : i32
        %ge3A_121 = vector.broadcast %ge3A : i32 to vector<16xi32>
        %ge3A_122 = arith.cmpi sge, %sub3A_120, %ge3A_121 : vector<16xi32>
        %lt3A_123 = vector.broadcast %add3A_94 : i32 to vector<16xi32>
        %lt3A_124 = arith.cmpi slt, %get3A_115, %lt3A_123 : vector<16xi32>
        %and3A = arith.andi %ge3A_122, %lt3A_124 : vector<16xi1>
        %mul3A_125 = arith.constant 4096 : i32
        %mul3A_126 = arith.muli %arg1, %mul3A_125 : i32
        %jit3A = arith.constant 64 : i32
        %eq3A = arith.constant 0 : i32
        %eq3A_127 = arith.cmpi eq, %jit3A, %eq3A : i32
        %jit3A_128 = arith.constant 1 : i32
        %select_n3A = arith.select %eq3A_127, %jit3A_128, %jit3A : i32
        %rem3A = arith.remsi %scan3A_107, %select_n3A : i32
        %ne3A = arith.constant 0 : i32
        %ne3A_129 = arith.cmpi ne, %rem3A, %ne3A : i32
        %lt3A_130 = arith.constant 0 : i32
        %lt3A_131 = arith.cmpi slt, %rem3A, %lt3A_130 : i32
        %lt3A_132 = arith.constant 0 : i32
        %lt3A_133 = arith.cmpi slt, %select_n3A, %lt3A_132 : i32
        %ne3A_134 = arith.xori %lt3A_131, %lt3A_133 : i1
        %and3A_135 = arith.andi %ne3A_134, %ne3A_129 : i1
        %add3A_136 = arith.addi %rem3A, %select_n3A : i32
        %select_n3A_137 = arith.select %and3A_135, %add3A_136, %rem3A : i32
        %mul3A_138 = arith.constant 16 : i32
        %mul3A_139 = arith.muli %select_n3A_137, %mul3A_138 : i32
        %add3A_140 = arith.addi %mul3A_126, %mul3A_139 : i32
        %add3A_141 = vector.broadcast %add3A_140 : i32 to vector<16xi32>
        %add3A_142 = arith.addi %add3A_141, %iota3A : vector<16xi32>
        %mul3A_143 = arith.constant 8192 : i32
        %mul3A_144 = vector.broadcast %mul3A_143 : i32 to vector<16xi32>
        %mul3A_145 = arith.muli %sub3A_120, %mul3A_144 : vector<16xi32>
        %add3A_146 = arith.addi %mul3A_145, %get3A_118 : vector<16xi32>
        %select_n3A_147 = arith.select %and3A, %add3A_146, %add3A_142 : vector<16xi1>, vector<16xi32>
        %mul3A_148 = arith.constant 16 : i32
        %mul3A_149 = arith.muli %scan3A_107, %mul3A_148 : i32
        %swap3A = arith.index_cast %mul3A_149 : i32 to index
        %swap3A_150 = tpu.vector_load %arg11[%swap3A] {strides = array<i32>} : memref<3200xi32, #tpu.memory_space<vmem>>, vector<16xi32>,
        %swap3A_151 = vector.shape_cast %swap3A_150 : vector<16xi32> to vector<16xi32>
        %swap3A_152 = vector.shape_cast %select_n3A_147 : vector<16xi32> to vector<16xi32>
        tpu.vector_store %arg11[%swap3A], %swap3A_152 {strides = array<i32>} : memref<3200xi32, #tpu.memory_space<vmem>>, vector<16xi32>,
        %jit3A_153 = arith.constant 1.000000e+00 : f32
        %jit3A_154 = arith.constant 0.000000e+00 : f32
        %broadcast_in_dim3A = vector.broadcast %jit3A_153 : f32 to vector<16xf32>
        %broadcast_in_dim3A_155 = vector.broadcast %jit3A_154 : f32 to vector<16xf32>
        %select_n3A_156 = arith.select %and3A, %broadcast_in_dim3A, %broadcast_in_dim3A_155 : vector<16xi1>, vector<16xf32>
        %mul3A_157 = arith.constant 16 : i32
        %mul3A_158 = arith.muli %scan3A_107, %mul3A_157 : i32
        %swap3A_159 = arith.index_cast %mul3A_158 : i32 to index
        %swap3A_160 = tpu.vector_load %arg12[%swap3A_159] {strides = array<i32>} : memref<3200xf32, #tpu.memory_space<vmem>>, vector<16xf32>,
        %swap3A_161 = vector.shape_cast %swap3A_160 : vector<16xf32> to vector<16xf32>
        %swap3A_162 = vector.shape_cast %select_n3A_156 : vector<16xf32> to vector<16xf32>
        tpu.vector_store %arg12[%swap3A_159], %swap3A_162 {strides = array<i32>} : memref<3200xf32, #tpu.memory_space<vmem>>, vector<16xf32>,
        %scan3A_163 = arith.constant 0 : i32
        %scan3A_164 = arith.constant 1 : i32
        %scan3A_165 = arith.addi %scan3A_107, %scan3A_164 : i32
        %mul3A_166 = arith.constant 200 : i32
        %mul3A_167 = arith.muli %scan3A_96, %mul3A_166 : i32
        %add3A_168 = arith.addi %mul3A_167, %scan3A_165 : i32
        %mul3A_169 = arith.constant 16 : i32
        %mul3A_170 = arith.muli %add3A_168, %mul3A_169 : i32
        %get3A_171 = arith.index_cast %mul3A_170 : i32 to index
        %get3A_172 = tpu.vector_load %arg8[%get3A_171] {strides = array<i32>} : memref<3200xi32, #tpu.memory_space<vmem>>, vector<16xi32>,
        %get3A_173 = vector.shape_cast %get3A_172 : vector<16xi32> to vector<16xi32>
        %get3A_174 = arith.index_cast %mul3A_170 : i32 to index
        %get3A_175 = tpu.vector_load %arg10[%get3A_174] {strides = array<i32>} : memref<3200xi32, #tpu.memory_space<vmem>>, vector<16xi32>,
        %get3A_176 = vector.shape_cast %get3A_175 : vector<16xi32> to vector<16xi32>
        %sub3A_177 = vector.broadcast %add3A_7 : i32 to vector<16xi32>
        %sub3A_178 = arith.subi %get3A_173, %sub3A_177 : vector<16xi32>
        %ge3A_179 = arith.constant 0 : i32
        %ge3A_180 = vector.broadcast %ge3A_179 : i32 to vector<16xi32>
        %ge3A_181 = arith.cmpi sge, %sub3A_178, %ge3A_180 : vector<16xi32>
        %lt3A_182 = vector.broadcast %add3A_94 : i32 to vector<16xi32>
        %lt3A_183 = arith.cmpi slt, %get3A_173, %lt3A_182 : vector<16xi32>
        %and3A_184 = arith.andi %ge3A_181, %lt3A_183 : vector<16xi1>
        %mul3A_185 = arith.constant 4096 : i32
        %mul3A_186 = arith.muli %arg1, %mul3A_185 : i32
        %jit3A_187 = arith.constant 64 : i32
        %eq3A_188 = arith.constant 0 : i32
        %eq3A_189 = arith.cmpi eq, %jit3A_187, %eq3A_188 : i32
        %jit3A_190 = arith.constant 1 : i32
        %select_n3A_191 = arith.select %eq3A_189, %jit3A_190, %jit3A_187 : i32
        %rem3A_192 = arith.remsi %scan3A_165, %select_n3A_191 : i32
        %ne3A_193 = arith.constant 0 : i32
        %ne3A_194 = arith.cmpi ne, %rem3A_192, %ne3A_193 : i32
        %lt3A_195 = arith.constant 0 : i32
        %lt3A_196 = arith.cmpi slt, %rem3A_192, %lt3A_195 : i32
        %lt3A_197 = arith.constant 0 : i32
        %lt3A_198 = arith.cmpi slt, %select_n3A_191, %lt3A_197 : i32
        %ne3A_199 = arith.xori %lt3A_196, %lt3A_198 : i1
        %and3A_200 = arith.andi %ne3A_199, %ne3A_194 : i1
        %add3A_201 = arith.addi %rem3A_192, %select_n3A_191 : i32
        %select_n3A_202 = arith.select %and3A_200, %add3A_201, %rem3A_192 : i32
        %mul3A_203 = arith.constant 16 : i32
        %mul3A_204 = arith.muli %select_n3A_202, %mul3A_203 : i32
        %add3A_205 = arith.addi %mul3A_186, %mul3A_204 : i32
        %add3A_206 = vector.broadcast %add3A_205 : i32 to vector<16xi32>
        %add3A_207 = arith.addi %add3A_206, %iota3A : vector<16xi32>
        %mul3A_208 = arith.constant 8192 : i32
        %mul3A_209 = vector.broadcast %mul3A_208 : i32 to vector<16xi32>
        %mul3A_210 = arith.muli %sub3A_178, %mul3A_209 : vector<16xi32>
        %add3A_211 = arith.addi %mul3A_210, %get3A_176 : vector<16xi32>
        %select_n3A_212 = arith.select %and3A_184, %add3A_211, %add3A_207 : vector<16xi1>, vector<16xi32>
        %mul3A_213 = arith.constant 16 : i32
        %mul3A_214 = arith.muli %scan3A_165, %mul3A_213 : i32
        %swap3A_215 = arith.index_cast %mul3A_214 : i32 to index
        %swap3A_216 = tpu.vector_load %arg11[%swap3A_215] {strides = array<i32>} : memref<3200xi32, #tpu.memory_space<vmem>>, vector<16xi32>,
        %swap3A_217 = vector.shape_cast %swap3A_216 : vector<16xi32> to vector<16xi32>
        %swap3A_218 = vector.shape_cast %select_n3A_212 : vector<16xi32> to vector<16xi32>
        tpu.vector_store %arg11[%swap3A_215], %swap3A_218 {strides = array<i32>} : memref<3200xi32, #tpu.memory_space<vmem>>, vector<16xi32>,
        %jit3A_219 = arith.constant 1.000000e+00 : f32
        %jit3A_220 = arith.constant 0.000000e+00 : f32
        %broadcast_in_dim3A_221 = vector.broadcast %jit3A_219 : f32 to vector<16xf32>
        %broadcast_in_dim3A_222 = vector.broadcast %jit3A_220 : f32 to vector<16xf32>
        %select_n3A_223 = arith.select %and3A_184, %broadcast_in_dim3A_221, %broadcast_in_dim3A_222 : vector<16xi1>, vector<16xf32>
        %mul3A_224 = arith.constant 16 : i32
        %mul3A_225 = arith.muli %scan3A_165, %mul3A_224 : i32
        %swap3A_226 = arith.index_cast %mul3A_225 : i32 to index
        %swap3A_227 = tpu.vector_load %arg12[%swap3A_226] {strides = array<i32>} : memref<3200xf32, #tpu.memory_space<vmem>>, vector<16xf32>,
        %swap3A_228 = vector.shape_cast %swap3A_227 : vector<16xf32> to vector<16xf32>
        %swap3A_229 = vector.shape_cast %select_n3A_223 : vector<16xf32> to vector<16xf32>
        tpu.vector_store %arg12[%swap3A_226], %swap3A_229 {strides = array<i32>} : memref<3200xf32, #tpu.memory_space<vmem>>, vector<16xf32>,
        %scan3A_230 = arith.constant 0 : i32
        %scan3A_231 = arith.constant 2 : i32
        %scan3A_232 = arith.addi %scan3A_107, %scan3A_231 : i32
        %mul3A_233 = arith.constant 200 : i32
        %mul3A_234 = arith.muli %scan3A_96, %mul3A_233 : i32
        %add3A_235 = arith.addi %mul3A_234, %scan3A_232 : i32
        %mul3A_236 = arith.constant 16 : i32
        %mul3A_237 = arith.muli %add3A_235, %mul3A_236 : i32
        %get3A_238 = arith.index_cast %mul3A_237 : i32 to index
        %get3A_239 = tpu.vector_load %arg8[%get3A_238] {strides = array<i32>} : memref<3200xi32, #tpu.memory_space<vmem>>, vector<16xi32>,
        %get3A_240 = vector.shape_cast %get3A_239 : vector<16xi32> to vector<16xi32>
        %get3A_241 = arith.index_cast %mul3A_237 : i32 to index
        %get3A_242 = tpu.vector_load %arg10[%get3A_241] {strides = array<i32>} : memref<3200xi32, #tpu.memory_space<vmem>>, vector<16xi32>,
        %get3A_243 = vector.shape_cast %get3A_242 : vector<16xi32> to vector<16xi32>
        %sub3A_244 = vector.broadcast %add3A_7 : i32 to vector<16xi32>
        %sub3A_245 = arith.subi %get3A_240, %sub3A_244 : vector<16xi32>
        %ge3A_246 = arith.constant 0 : i32
        %ge3A_247 = vector.broadcast %ge3A_246 : i32 to vector<16xi32>
        %ge3A_248 = arith.cmpi sge, %sub3A_245, %ge3A_247 : vector<16xi32>
        %lt3A_249 = vector.broadcast %add3A_94 : i32 to vector<16xi32>
        %lt3A_250 = arith.cmpi slt, %get3A_240, %lt3A_249 : vector<16xi32>
        %and3A_251 = arith.andi %ge3A_248, %lt3A_250 : vector<16xi1>
        %mul3A_252 = arith.constant 4096 : i32
        %mul3A_253 = arith.muli %arg1, %mul3A_252 : i32
        %jit3A_254 = arith.constant 64 : i32
        %eq3A_255 = arith.constant 0 : i32
        %eq3A_256 = arith.cmpi eq, %jit3A_254, %eq3A_255 : i32
        %jit3A_257 = arith.constant 1 : i32
        %select_n3A_258 = arith.select %eq3A_256, %jit3A_257, %jit3A_254 : i32
        %rem3A_259 = arith.remsi %scan3A_232, %select_n3A_258 : i32
        %ne3A_260 = arith.constant 0 : i32
        %ne3A_261 = arith.cmpi ne, %rem3A_259, %ne3A_260 : i32
        %lt3A_262 = arith.constant 0 : i32
        %lt3A_263 = arith.cmpi slt, %rem3A_259, %lt3A_262 : i32
        %lt3A_264 = arith.constant 0 : i32
        %lt3A_265 = arith.cmpi slt, %select_n3A_258, %lt3A_264 : i32
        %ne3A_266 = arith.xori %lt3A_263, %lt3A_265 : i1
        %and3A_267 = arith.andi %ne3A_266, %ne3A_261 : i1
        %add3A_268 = arith.addi %rem3A_259, %select_n3A_258 : i32
        %select_n3A_269 = arith.select %and3A_267, %add3A_268, %rem3A_259 : i32
        %mul3A_270 = arith.constant 16 : i32
        %mul3A_271 = arith.muli %select_n3A_269, %mul3A_270 : i32
        %add3A_272 = arith.addi %mul3A_253, %mul3A_271 : i32
        %add3A_273 = vector.broadcast %add3A_272 : i32 to vector<16xi32>
        %add3A_274 = arith.addi %add3A_273, %iota3A : vector<16xi32>
        %mul3A_275 = arith.constant 8192 : i32
        %mul3A_276 = vector.broadcast %mul3A_275 : i32 to vector<16xi32>
        %mul3A_277 = arith.muli %sub3A_245, %mul3A_276 : vector<16xi32>
        %add3A_278 = arith.addi %mul3A_277, %get3A_243 : vector<16xi32>
        %select_n3A_279 = arith.select %and3A_251, %add3A_278, %add3A_274 : vector<16xi1>, vector<16xi32>
        %mul3A_280 = arith.constant 16 : i32
        %mul3A_281 = arith.muli %scan3A_232, %mul3A_280 : i32
        %swap3A_282 = arith.index_cast %mul3A_281 : i32 to index
        %swap3A_283 = tpu.vector_load %arg11[%swap3A_282] {strides = array<i32>} : memref<3200xi32, #tpu.memory_space<vmem>>, vector<16xi32>,
        %swap3A_284 = vector.shape_cast %swap3A_283 : vector<16xi32> to vector<16xi32>
        %swap3A_285 = vector.shape_cast %select_n3A_279 : vector<16xi32> to vector<16xi32>
        tpu.vector_store %arg11[%swap3A_282], %swap3A_285 {strides = array<i32>} : memref<3200xi32, #tpu.memory_space<vmem>>, vector<16xi32>,
        %jit3A_286 = arith.constant 1.000000e+00 : f32
        %jit3A_287 = arith.constant 0.000000e+00 : f32
        %broadcast_in_dim3A_288 = vector.broadcast %jit3A_286 : f32 to vector<16xf32>
        %broadcast_in_dim3A_289 = vector.broadcast %jit3A_287 : f32 to vector<16xf32>
        %select_n3A_290 = arith.select %and3A_251, %broadcast_in_dim3A_288, %broadcast_in_dim3A_289 : vector<16xi1>, vector<16xf32>
        %mul3A_291 = arith.constant 16 : i32
        %mul3A_292 = arith.muli %scan3A_232, %mul3A_291 : i32
        %swap3A_293 = arith.index_cast %mul3A_292 : i32 to index
        %swap3A_294 = tpu.vector_load %arg12[%swap3A_293] {strides = array<i32>} : memref<3200xf32, #tpu.memory_space<vmem>>, vector<16xf32>,
        %swap3A_295 = vector.shape_cast %swap3A_294 : vector<16xf32> to vector<16xf32>
        %swap3A_296 = vector.shape_cast %select_n3A_290 : vector<16xf32> to vector<16xf32>
        tpu.vector_store %arg12[%swap3A_293], %swap3A_296 {strides = array<i32>} : memref<3200xf32, #tpu.memory_space<vmem>>, vector<16xf32>,
        %scan3A_297 = arith.constant 0 : i32
        %scan3A_298 = arith.constant 3 : i32
        %scan3A_299 = arith.addi %scan3A_107, %scan3A_298 : i32
        %mul3A_300 = arith.constant 200 : i32
        %mul3A_301 = arith.muli %scan3A_96, %mul3A_300 : i32
        %add3A_302 = arith.addi %mul3A_301, %scan3A_299 : i32
        %mul3A_303 = arith.constant 16 : i32
        %mul3A_304 = arith.muli %add3A_302, %mul3A_303 : i32
        %get3A_305 = arith.index_cast %mul3A_304 : i32 to index
        %get3A_306 = tpu.vector_load %arg8[%get3A_305] {strides = array<i32>} : memref<3200xi32, #tpu.memory_space<vmem>>, vector<16xi32>,
        %get3A_307 = vector.shape_cast %get3A_306 : vector<16xi32> to vector<16xi32>
        %get3A_308 = arith.index_cast %mul3A_304 : i32 to index
        %get3A_309 = tpu.vector_load %arg10[%get3A_308] {strides = array<i32>} : memref<3200xi32, #tpu.memory_space<vmem>>, vector<16xi32>,
        %get3A_310 = vector.shape_cast %get3A_309 : vector<16xi32> to vector<16xi32>
        %sub3A_311 = vector.broadcast %add3A_7 : i32 to vector<16xi32>
        %sub3A_312 = arith.subi %get3A_307, %sub3A_311 : vector<16xi32>
        %ge3A_313 = arith.constant 0 : i32
        %ge3A_314 = vector.broadcast %ge3A_313 : i32 to vector<16xi32>
        %ge3A_315 = arith.cmpi sge, %sub3A_312, %ge3A_314 : vector<16xi32>
        %lt3A_316 = vector.broadcast %add3A_94 : i32 to vector<16xi32>
        %lt3A_317 = arith.cmpi slt, %get3A_307, %lt3A_316 : vector<16xi32>
        %and3A_318 = arith.andi %ge3A_315, %lt3A_317 : vector<16xi1>
        %mul3A_319 = arith.constant 4096 : i32
        %mul3A_320 = arith.muli %arg1, %mul3A_319 : i32
        %jit3A_321 = arith.constant 64 : i32
        %eq3A_322 = arith.constant 0 : i32
        %eq3A_323 = arith.cmpi eq, %jit3A_321, %eq3A_322 : i32
        %jit3A_324 = arith.constant 1 : i32
        %select_n3A_325 = arith.select %eq3A_323, %jit3A_324, %jit3A_321 : i32
        %rem3A_326 = arith.remsi %scan3A_299, %select_n3A_325 : i32
        %ne3A_327 = arith.constant 0 : i32
        %ne3A_328 = arith.cmpi ne, %rem3A_326, %ne3A_327 : i32
        %lt3A_329 = arith.constant 0 : i32
        %lt3A_330 = arith.cmpi slt, %rem3A_326, %lt3A_329 : i32
        %lt3A_331 = arith.constant 0 : i32
        %lt3A_332 = arith.cmpi slt, %select_n3A_325, %lt3A_331 : i32
        %ne3A_333 = arith.xori %lt3A_330, %lt3A_332 : i1
        %and3A_334 = arith.andi %ne3A_333, %ne3A_328 : i1
        %add3A_335 = arith.addi %rem3A_326, %select_n3A_325 : i32
        %select_n3A_336 = arith.select %and3A_334, %add3A_335, %rem3A_326 : i32
        %mul3A_337 = arith.constant 16 : i32
        %mul3A_338 = arith.muli %select_n3A_336, %mul3A_337 : i32
        %add3A_339 = arith.addi %mul3A_320, %mul3A_338 : i32
        %add3A_340 = vector.broadcast %add3A_339 : i32 to vector<16xi32>
        %add3A_341 = arith.addi %add3A_340, %iota3A : vector<16xi32>
        %mul3A_342 = arith.constant 8192 : i32
        %mul3A_343 = vector.broadcast %mul3A_342 : i32 to vector<16xi32>
        %mul3A_344 = arith.muli %sub3A_312, %mul3A_343 : vector<16xi32>
        %add3A_345 = arith.addi %mul3A_344, %get3A_310 : vector<16xi32>
        %select_n3A_346 = arith.select %and3A_318, %add3A_345, %add3A_341 : vector<16xi1>, vector<16xi32>
        %mul3A_347 = arith.constant 16 : i32
        %mul3A_348 = arith.muli %scan3A_299, %mul3A_347 : i32
        %swap3A_349 = arith.index_cast %mul3A_348 : i32 to index
        %swap3A_350 = tpu.vector_load %arg11[%swap3A_349] {strides = array<i32>} : memref<3200xi32, #tpu.memory_space<vmem>>, vector<16xi32>,
        %swap3A_351 = vector.shape_cast %swap3A_350 : vector<16xi32> to vector<16xi32>
        %swap3A_352 = vector.shape_cast %select_n3A_346 : vector<16xi32> to vector<16xi32>
        tpu.vector_store %arg11[%swap3A_349], %swap3A_352 {strides = array<i32>} : memref<3200xi32, #tpu.memory_space<vmem>>, vector<16xi32>,
        %jit3A_353 = arith.constant 1.000000e+00 : f32
        %jit3A_354 = arith.constant 0.000000e+00 : f32
        %broadcast_in_dim3A_355 = vector.broadcast %jit3A_353 : f32 to vector<16xf32>
        %broadcast_in_dim3A_356 = vector.broadcast %jit3A_354 : f32 to vector<16xf32>
        %select_n3A_357 = arith.select %and3A_318, %broadcast_in_dim3A_355, %broadcast_in_dim3A_356 : vector<16xi1>, vector<16xf32>
        %mul3A_358 = arith.constant 16 : i32
        %mul3A_359 = arith.muli %scan3A_299, %mul3A_358 : i32
        %swap3A_360 = arith.index_cast %mul3A_359 : i32 to index
        %swap3A_361 = tpu.vector_load %arg12[%swap3A_360] {strides = array<i32>} : memref<3200xf32, #tpu.memory_space<vmem>>, vector<16xf32>,
        %swap3A_362 = vector.shape_cast %swap3A_361 : vector<16xf32> to vector<16xf32>
        %swap3A_363 = vector.shape_cast %select_n3A_357 : vector<16xf32> to vector<16xf32>
        tpu.vector_store %arg12[%swap3A_360], %swap3A_363 {strides = array<i32>} : memref<3200xf32, #tpu.memory_space<vmem>>, vector<16xf32>,
        %scan3A_364 = arith.constant 0 : i32
        %scan3A_365 = arith.constant 4 : i32
        %scan3A_366 = arith.addi %scan3A_107, %scan3A_365 : i32
        %mul3A_367 = arith.constant 200 : i32
        %mul3A_368 = arith.muli %scan3A_96, %mul3A_367 : i32
        %add3A_369 = arith.addi %mul3A_368, %scan3A_366 : i32
        %mul3A_370 = arith.constant 16 : i32
        %mul3A_371 = arith.muli %add3A_369, %mul3A_370 : i32
        %get3A_372 = arith.index_cast %mul3A_371 : i32 to index
        %get3A_373 = tpu.vector_load %arg8[%get3A_372] {strides = array<i32>} : memref<3200xi32, #tpu.memory_space<vmem>>, vector<16xi32>,
        %get3A_374 = vector.shape_cast %get3A_373 : vector<16xi32> to vector<16xi32>
        %get3A_375 = arith.index_cast %mul3A_371 : i32 to index
        %get3A_376 = tpu.vector_load %arg10[%get3A_375] {strides = array<i32>} : memref<3200xi32, #tpu.memory_space<vmem>>, vector<16xi32>,
        %get3A_377 = vector.shape_cast %get3A_376 : vector<16xi32> to vector<16xi32>
        %sub3A_378 = vector.broadcast %add3A_7 : i32 to vector<16xi32>
        %sub3A_379 = arith.subi %get3A_374, %sub3A_378 : vector<16xi32>
        %ge3A_380 = arith.constant 0 : i32
        %ge3A_381 = vector.broadcast %ge3A_380 : i32 to vector<16xi32>
        %ge3A_382 = arith.cmpi sge, %sub3A_379, %ge3A_381 : vector<16xi32>
        %lt3A_383 = vector.broadcast %add3A_94 : i32 to vector<16xi32>
        %lt3A_384 = arith.cmpi slt, %get3A_374, %lt3A_383 : vector<16xi32>
        %and3A_385 = arith.andi %ge3A_382, %lt3A_384 : vector<16xi1>
        %mul3A_386 = arith.constant 4096 : i32
        %mul3A_387 = arith.muli %arg1, %mul3A_386 : i32
        %jit3A_388 = arith.constant 64 : i32
        %eq3A_389 = arith.constant 0 : i32
        %eq3A_390 = arith.cmpi eq, %jit3A_388, %eq3A_389 : i32
        %jit3A_391 = arith.constant 1 : i32
        %select_n3A_392 = arith.select %eq3A_390, %jit3A_391, %jit3A_388 : i32
        %rem3A_393 = arith.remsi %scan3A_366, %select_n3A_392 : i32
        %ne3A_394 = arith.constant 0 : i32
        %ne3A_395 = arith.cmpi ne, %rem3A_393, %ne3A_394 : i32
        %lt3A_396 = arith.constant 0 : i32
        %lt3A_397 = arith.cmpi slt, %rem3A_393, %lt3A_396 : i32
        %lt3A_398 = arith.constant 0 : i32
        %lt3A_399 = arith.cmpi slt, %select_n3A_392, %lt3A_398 : i32
        %ne3A_400 = arith.xori %lt3A_397, %lt3A_399 : i1
        %and3A_401 = arith.andi %ne3A_400, %ne3A_395 : i1
        %add3A_402 = arith.addi %rem3A_393, %select_n3A_392 : i32
        %select_n3A_403 = arith.select %and3A_401, %add3A_402, %rem3A_393 : i32
        %mul3A_404 = arith.constant 16 : i32
        %mul3A_405 = arith.muli %select_n3A_403, %mul3A_404 : i32
        %add3A_406 = arith.addi %mul3A_387, %mul3A_405 : i32
        %add3A_407 = vector.broadcast %add3A_406 : i32 to vector<16xi32>
        %add3A_408 = arith.addi %add3A_407, %iota3A : vector<16xi32>
        %mul3A_409 = arith.constant 8192 : i32
        %mul3A_410 = vector.broadcast %mul3A_409 : i32 to vector<16xi32>
        %mul3A_411 = arith.muli %sub3A_379, %mul3A_410 : vector<16xi32>
        %add3A_412 = arith.addi %mul3A_411, %get3A_377 : vector<16xi32>
        %select_n3A_413 = arith.select %and3A_385, %add3A_412, %add3A_408 : vector<16xi1>, vector<16xi32>
        %mul3A_414 = arith.constant 16 : i32
        %mul3A_415 = arith.muli %scan3A_366, %mul3A_414 : i32
        %swap3A_416 = arith.index_cast %mul3A_415 : i32 to index
        %swap3A_417 = tpu.vector_load %arg11[%swap3A_416] {strides = array<i32>} : memref<3200xi32, #tpu.memory_space<vmem>>, vector<16xi32>,
        %swap3A_418 = vector.shape_cast %swap3A_417 : vector<16xi32> to vector<16xi32>
        %swap3A_419 = vector.shape_cast %select_n3A_413 : vector<16xi32> to vector<16xi32>
        tpu.vector_store %arg11[%swap3A_416], %swap3A_419 {strides = array<i32>} : memref<3200xi32, #tpu.memory_space<vmem>>, vector<16xi32>,
        %jit3A_420 = arith.constant 1.000000e+00 : f32
        %jit3A_421 = arith.constant 0.000000e+00 : f32
        %broadcast_in_dim3A_422 = vector.broadcast %jit3A_420 : f32 to vector<16xf32>
        %broadcast_in_dim3A_423 = vector.broadcast %jit3A_421 : f32 to vector<16xf32>
        %select_n3A_424 = arith.select %and3A_385, %broadcast_in_dim3A_422, %broadcast_in_dim3A_423 : vector<16xi1>, vector<16xf32>
        %mul3A_425 = arith.constant 16 : i32
        %mul3A_426 = arith.muli %scan3A_366, %mul3A_425 : i32
        %swap3A_427 = arith.index_cast %mul3A_426 : i32 to index
        %swap3A_428 = tpu.vector_load %arg12[%swap3A_427] {strides = array<i32>} : memref<3200xf32, #tpu.memory_space<vmem>>, vector<16xf32>,
        %swap3A_429 = vector.shape_cast %swap3A_428 : vector<16xf32> to vector<16xf32>
        %swap3A_430 = vector.shape_cast %select_n3A_424 : vector<16xf32> to vector<16xf32>
        tpu.vector_store %arg12[%swap3A_427], %swap3A_430 {strides = array<i32>} : memref<3200xf32, #tpu.memory_space<vmem>>, vector<16xf32>,
        %scan3A_431 = arith.constant 0 : i32
        scf.yield %scan3A_431 : i32
      }
      %scan3A_103 = arith.constant 200 : i32
      "tpu.region"() ({
        %run_scoped3A = tpu.sem_alloc : memref<!tpu.dma_semaphore, #tpu.memory_space<semaphore_mem>>
        %dma_start3A_107 = arith.constant 0 : i32
        %dma_start3A_108 = tpu.memref_slice %arg6[%dma_start3A_107] : memref<1777664xf32, #tpu.memory_space<vmem_shared>> -> memref<1777664xf32, #tpu.memory_space<vmem_shared>>
        tpu.enqueue_indirect_dma source(%arg12 : memref<3200xf32, #tpu.memory_space<vmem>>) target(%dma_start3A_108 : memref<1777664xf32, #tpu.memory_space<vmem_shared>>) offsets(%arg11 : memref<3200xi32, #tpu.memory_space<vmem>>) semaphore(%run_scoped3A : memref<!tpu.dma_semaphore, #tpu.memory_space<semaphore_mem>>) {add = true}
        %dma_wait3A_109 = arith.constant 0 : i32
        %dma_wait3A_110 = tpu.memref_slice %arg6[%dma_wait3A_109] : memref<1777664xf32, #tpu.memory_space<vmem_shared>> -> memref<1777664xf32, #tpu.memory_space<vmem_shared>>
        tpu.wait_indirect_dma semaphore(%run_scoped3A : memref<!tpu.dma_semaphore, #tpu.memory_space<semaphore_mem>>) src(%arg12 : memref<3200xf32, #tpu.memory_space<vmem>>) dst(%dma_wait3A_110 : memref<1777664xf32, #tpu.memory_space<vmem_shared>>)
        tpu.yield
      }) : () -> ()
      %scan3A_104 = arith.constant 0 : i32
      %scan3A_105 = arith.constant 1 : i32
      %scan3A_106 = arith.constant 0 : i32
      scf.yield %scan3A_106 : i32
    }
    %scan3A_31 = arith.constant 20 : i32
    %barrier3A_32 = arith.constant 0 : index
    tpu.barrier barrier_id(%barrier3A_32)
    %mul3A_33 = arith.constant 97280 : i32
    %mul3A_34 = arith.muli %arg1, %mul3A_33 : i32
    "tpu.region"() ({
      %run_scoped3A = tpu.sem_alloc : memref<!tpu.dma_semaphore, #tpu.memory_space<semaphore_mem>>
      %dma_start3A_35 = tpu.memref_slice %arg5[%add3A_12] : memref<67108864xf32, #tpu.memory_space<hbm>> -> memref<97280xf32, #tpu.memory_space<hbm>>
      %dma_start3A_36 = tpu.memref_slice %arg6[%mul3A_34] : memref<1777664xf32, #tpu.memory_space<vmem_shared>> -> memref<97280xf32, #tpu.memory_space<vmem_shared>>
      tpu.enqueue_dma source(%dma_start3A_36 : memref<97280xf32, #tpu.memory_space<vmem_shared>>) target(%dma_start3A_35 : memref<97280xf32, #tpu.memory_space<hbm>>) target_semaphore(%run_scoped3A : memref<!tpu.dma_semaphore, #tpu.memory_space<semaphore_mem>>)
      %dma_wait3A = tpu.memref_slice %arg5[%add3A_12] : memref<67108864xf32, #tpu.memory_space<hbm>> -> memref<97280xf32, #tpu.memory_space<hbm>>
      %dma_wait3A_37 = tpu.memref_slice %arg6[%mul3A_34] : memref<1777664xf32, #tpu.memory_space<vmem_shared>> -> memref<97280xf32, #tpu.memory_space<vmem_shared>>
      tpu.wait_dma2 semaphore(%run_scoped3A : memref<!tpu.dma_semaphore, #tpu.memory_space<semaphore_mem>>) src(%dma_wait3A_37 : memref<97280xf32, #tpu.memory_space<vmem_shared>>) dst(%dma_wait3A : memref<97280xf32, #tpu.memory_space<hbm>>)
      tpu.yield
    }) : () -> ()
    return
  }
}

</mosaic_0001>

<sc_bundles>
// kernel: kernel.3.cloned.1.call-start
scs
__scs_entry_jumppad:
0x0: {  	(pc) =	sbr.rel $0x88, $3  }
0x1: {  	(tag) =	ssettag $0x0;
	lr =	simm.s32 $0x1  }
0x2: {  	[smem:$0x3F9E] =	sst lr;
	_ =	strace $0xD0000000  }
0x3: {  	_ = 	snop  }
0x4: {  	_ = 	snop  }
0x5: {  	_ = 	snop  }
0x6: {  	_ = 	snop  }
0x7: {  	_ = 	snop  }
__scs_overlays_trampoline_lowered:
0x8: {  	[smem:$0x3FAD] =	sst s0  }
0x9: {  	[smem:$0x3FAE] =	sst s1  }
0xa: {  	[smem:$0x3FAF] =	sst s2  }
0xb: {  	[smem:$0x3FB0] =	sst s3  }
0xc: {  	[smem:$0x3FB1] =	sst s4  }
0xd: {  	[smem:$0x3FB2] =	sst s5  }
0xe: {  	[smem:$0x3FB3] =	sst s6  }
0xf: {  	[smem:$0x3FB4] =	sst s7  }
0x10: {  	[smem:$0x3FB5] =	sst s8  }
0x11: {  	[smem:$0x3FB6] =	sst s9;
	s0 =	simm.s32 @!p0 $0x0  }
0x12: {  	s1 =	sld [smem:$0x3F9C];
	s0 =	simm.s32 @p0 $0x1  }
0x13: {  	[smem:$0x3FB7] =	sst s0;
	s0 =	simm.s32 @!p1 $0x0  }
0x14: {  	s2 =	sld [smem:$0x3F9B];
	s0 =	simm.s32 @p1 $0x1  }
0x15: {  	[smem:$0x3FB8] =	sst s0;
	s0 =	simm.s32 @!p2 $0x0  }
0x16: {  	s3 =	sld [smem:$0x3FDB];
	s0 =	simm.s32 @p2 $0x1  }
0x17: {  	s4 =	simm.s32 $0x1BF5;
	[smem:$0x3FBA] =	sst s0  }
0x18: {  	s0 =	sld [smem:$0x3F9D];
	_ =	swait.ge [sflag:s4], $0x0  }
0x19: {  	s7 =	sld [smem:$0x3F9E]  }
0x1a: {  	s8 =	sadd.s32 $0xFFFFE003, lr  }
0x1b: {  	s9 =	sadd.s32 $0xFFFFFEF7, lr;
	s5 =	simm.s32 $0xFFFFFFFF;
	p2 =	slt.u32 s8, $0xFFFFF086  }
0x1c: {  	p1 =	slt.u32 s9, $0xF7A;
	s5 =	simm.s32 @!p2 $0x0  }
0x1d: {  	s5 =	simm.s32 @p1 $0x1;
	p0 =	seq.s32 s7, s2  }
0x1e: {  	s7 =	smul.u32 @!p0 $0xF7A, s2;
	p2 =	seq.s32 @!p0 s5, $0x0  }
0x1f: {  	s9 =	smul.u32 $0xF7A, s1;
	s8 =	simm.s32 @!p0 $0x1BF5;
	p2 =	por !p2, p0  }
0x20: {  	[sflag:s8] =	ssyncset.s32 @!p0 $0xFFFFF086;
	s6 =	sadd.s32 @!p0 s3, s7;
	s7 =	simm.s32 @!p0 $0x108  }
0x21: {  	s3 =	sadd.s32 s3, s9;
	s6 =	sadd.s32 @!p0 $0x88, s6;
	s7 =	simm.s32 @p2 $0x1082  }
0x22: {  	[simem:s7], [sflag:s8] =	dma.local @!p0 [hbm:s6], $0xF7A  }
0x23: {  	s9 =	sor.u32 $0xD0000000, s2;
	s6 =	simm.s32 $0x108;
	_ =	swait.ge @!p0 [sflag:s8], $0x0  }
0x24: {  	s3 =	sadd.s32 $0x88, s3;
	s6 =	simm.s32 @!p1 $0x1082;
	[sflag:s4] =	ssyncset.s32 $0xFFFFF086  }
0x25: {  	[simem:s6], [sflag:s4] =	dma.local [hbm:s3], $0xF7A  }
0x26: {  	[smem:$0x3F9E] =	sst s1;
	(tag) =	ssettag s2;
	_ =	strace s9  }
0x27: {  	s1 =	sld [smem:$0x3FAE]  }
0x28: {  	s2 =	sld [smem:$0x3FAF]  }
0x29: {  	s4 =	sld [smem:$0x3FB1]  }
0x2a: {  	p0 =	seq.s32 s5, $0x0;
	s5 =	sld [smem:$0x3FB2]  }
0x2b: {  	s6 =	sld [smem:$0x3FB3]  }
0x2c: {  	s7 =	sld [smem:$0x3FB4]  }
0x2d: {  	s3 =	simm.s32 $0x108;
	s8 =	sld [smem:$0x3FB5]  }
0x2e: {  	s3 =	simm.s32 @!p0 $0x1082;
	s9 =	sld [smem:$0x3FB6]  }
0x2f: {  	lr =	sadd.s32 s0, s3;
	s0 =	sld [smem:$0x3FAD]  }
0x30: {  	s3 =	sld [smem:$0x3FB0]  }
0x31: {  	[smem:$0x3FB9] =	sst s10  }
0x32: {  	s10 =	sld [smem:$0x3FB7];
	_ =	sdelay $0x3  }
0x33: {  	p0 =	seq.s32 s10, $0x1;
	s10 =	sld [smem:$0x3FB9];
	_ =	sdelay $0x3  }
0x34: {  	[smem:$0x3FB9] =	sst s10  }
0x35: {  	s10 =	sld [smem:$0x3FB8];
	_ =	sdelay $0x3  }
0x36: {  	p1 =	seq.s32 s10, $0x1;
	s10 =	sld [smem:$0x3FB9];
	_ =	sdelay $0x3  }
0x37: {  	[smem:$0x3FB9] =	sst s10  }
0x38: {  	s10 =	sld [smem:$0x3FBA]  }
0x39: {  	_ = 	snop;
	(pc) =	sbr.ind lr, $3  }
0x3a: {  	_ = 	snop  }
0x3b: {  	_ = 	snop  }
0x3c: {  	p2 =	seq.s32 s10, $0x1;
	s10 =	sld [smem:$0x3FB9]  }
0x3d: {  	_ =	shalt  }
0x3e: {  	_ =	shalt  }
0x3f: {  	_ =	shalt  }
0x40: {  	_ =	shalt  }
0x41: {  	_ =	shalt  }
0x42: {  	_ =	shalt  }
0x43: {  	_ =	shalt  }
0x44: {  	_ =	shalt  }
0x45: {  	_ =	shalt  }
0x46: {  	_ =	shalt  }
0x47: {  	_ =	shalt  }
0x48: {  	_ =	shalt  }
0x49: {  	_ =	shalt  }
0x4a: {  	_ =	shalt  }
0x4b: {  	_ =	shalt  }
0x4c: {  	_ =	shalt  }
0x4d: {  	_ =	shalt  }
0x4e: {  	_ =	shalt  }
0x4f: {  	_ =	shalt  }
0x50: {  	_ =	shalt  }
0x51: {  	_ =	shalt  }
0x52: {  	_ =	shalt  }
0x53: {  	_ =	shalt  }
0x54: {  	_ =	shalt  }
0x55: {  	_ =	shalt  }
0x56: {  	_ =	shalt  }
0x57: {  	_ =	shalt  }
0x58: {  	_ =	shalt  }
0x59: {  	_ =	shalt  }
0x5a: {  	_ =	shalt  }
0x5b: {  	_ =	shalt  }
0x5c: {  	_ =	shalt  }
0x5d: {  	_ =	shalt  }
0x5e: {  	_ =	shalt  }
0x5f: {  	_ =	shalt  }
0x60: {  	_ =	shalt  }
0x61: {  	_ =	shalt  }
0x62: {  	_ =	shalt  }
0x63: {  	_ =	shalt  }
0x64: {  	_ =	shalt  }
0x65: {  	_ =	shalt  }
0x66: {  	_ =	shalt  }
0x67: {  	_ =	shalt  }
0x68: {  	_ =	shalt  }
0x69: {  	_ =	shalt  }
0x6a: {  	_ =	shalt  }
0x6b: {  	_ =	shalt  }
0x6c: {  	_ =	shalt  }
0x6d: {  	_ =	shalt  }
0x6e: {  	_ =	shalt  }
0x6f: {  	_ =	shalt  }
0x70: {  	_ =	shalt  }
0x71: {  	_ =	shalt  }
0x72: {  	_ =	shalt  }
0x73: {  	_ =	shalt  }
0x74: {  	_ =	shalt  }
0x75: {  	_ =	shalt  }
0x76: {  	_ =	shalt  }
0x77: {  	_ =	shalt  }
0x78: {  	_ =	shalt  }
0x79: {  	_ =	shalt  }
0x7a: {  	_ =	shalt  }
0x7b: {  	_ =	shalt  }
0x7c: {  	_ =	shalt  }
0x7d: {  	_ =	shalt  }
0x7e: {  	_ =	shalt  }
0x7f: {  	_ =	shalt  }
0x80: {  	_ =	shalt  }
0x81: {  	_ =	shalt  }
0x82: {  	_ =	shalt  }
0x83: {  	_ =	shalt  }
0x84: {  	_ =	shalt  }
0x85: {  	_ =	shalt  }
0x86: {  	_ =	shalt  }
0x87: {  	_ =	shalt  }
.Lfunc_end0:
.L_simem_size_0:
called_computation.1_lowered:
.L_overlay_start_0:
0x88: {  	s2 =	sld [smem:$0x3FD9]  }
0x89: {  	s3 =	sld [smem:$0x3FFE];
	_ =	sdelay $0x1  }
0x8a: {  	s1 =	srdreg.scid  }
0x8b: {  	s0 =	sand.u32 $0x1, s1  }
0x8c: {  	s17 =	sshll.u32 s0, $0xA;
	s2 =	sadd.s32 s3, s2  }
0x8d: {  	s2 =	sadd.s32 s2, s17  }
0x8e: {  	[smem:$0x3FC5] =	sst s2  }
0x8f: {  	_ = 	snop  }
0x90: {  	s2 =	sld [smem:$0x3FC9]  }
0x91: {  	s18 =	sld [smem:$0x3FC8]  }
0x92: {  	s4 =	sld [smem:$0x3FD0];
	(tm) =	ssettm $0x1  }
0x93: {  	s5 =	sld [smem:$0x3FFB];
	_ =	sdelay $0x3  }
0x94: {  	_ =	strace s5  }
0x95: {  	s5 =	sld [smem:$0x3FFC];
	_ =	sdelay $0x3  }
0x96: {  	_ =	strace s5  }
0x97: {  	s5 =	sld [smem:$0x3FFD];
	_ =	sdelay $0x3  }
0x98: {  	_ =	strace s5  }
0x99: {  	_ =	strace $0x8FFFFFFF  }
0x9a: {  	s19 =	sld [smem:$0x3FDB];
	_ =	sdelay $0x1  }
0x9b: {  	s6 =	simm.s32 $_scs_section_size  }
0x9c: {  	s7 =	simm.s32 $_size__tile_overlayer_lowered;
	s8 =	simm.s32 $_tile_overlayer_lowered  }
0x9d: {  	s22 =	simm.s32 $0x1BFF;
	s21 =	sshll.u32 s8, $0x1;
	s5 =	sadd.s32 s6, s19  }
0x9e: {  	s9 =	simm.s32 $0x0;
	s20 =	sshll.u32 s7, $0x1;
	s7 =	sadd.s32 s21, s5  }
0x9f: {  	[timem:s9], [sflag:s22] =	dma.local [hbm:s7], s20  }
0xa0: {  	_ =	swait.ge [sflag:s22], s20  }
0xa1: {  	s6 =	ssub.s32 $0x0, s20;
	[sflag:s22] =	ssyncset.done $0x0  }
0xa2: {  	[sflag:s22] =	ssyncadd.s32 s6;
	_ =	sdelay $0x1  }
0xa3: {  	s23 =	simm.s32 $0x1B8B  }
0xa4: {  	_ =	swait.ge [sflag:s23], $0x1  }
0xa5: {  	[sflag:s23] =	ssyncset.done $0x0  }
0xa6: {  	s25 =	simm.s32 $0x1B8E;
	s24 =	sld [smem:$0x3FFE];
	[sflag:s23] =	ssyncadd.s32 $0xFFFFFFFF  }
0xa7: {  	s26 =	simm.s32 $execute0_lowered;
	[smem:$0x3FD2] =	sst s25  }
0xa8: {  	s7 =	sshll.u32 s26, $0x1;
	_ =	strace $0x80000049;
	[dreg:$0x1] =	wrdreg $0xFFFFFFFF  }
0xa9: {  	s28 =	simm.s32 $_size_execute0_lowered;
	s5 =	sadd.s32 s5, s7;
	[dreg:$0x0] =	wrdreg $0x0  }
0xaa: {  	s7 =	sshll.u32 s28, $0x1;
	[dreg:$0x2] =	wrdreg s5  }
0xab: {  	[dreg:$0x3] =	wrdreg s7  }
0xac: {  	[dreg:$0x4] =	wrdreg $0xC0  }
0xad: {  	_ =	task [dreg:s9], $0x5FFFF  }
0xae: {  	[dreg:$0x1] =	wrdreg $0xFFFFFFFF  }
0xaf: {  	[dreg:$0x0] =	wrdreg $0x60  }
0xb0: {  	[dreg:$0x2] =	wrdreg s2  }
0xb1: {  	[dreg:$0x3] =	wrdreg s18  }
0xb2: {  	[dreg:$0x4] =	wrdreg s4  }
0xb3: {  	[dreg:$0x5] =	wrdreg s24  }
0xb4: {  	[dreg:$0x6] =	wrdreg $0x0  }
0xb5: {  	[dreg:$0x7] =	wrdreg $0x9  }
0xb6: {  	_ =	task.clear_ibuf [dreg:s9], $0x8FFFF;
	_ =	strace $0x90000049  }
0xb7: {  	s29 =	simm.s32 $0x9;
	_ =	strace $0x8000004B  }
0xb8: {  	_ =	swait.ge [sflag:s29], $0x1  }
0xb9: {  	[sflag:s29] =	ssyncadd.s32 $0xFFFFFFFF  }
0xba: {  	_ =	strace $0x9000004B  }
0xbb: {  	_ =	sfence  }
0xbc: {  	s30 =	sld [smem:$0x0];
	_ =	sdelay $0x2  }
0xbd: {  	s31 =	sshll.u32 s1, $0xD;
	s1 =	sshrl.u32 s1, $0x2  }
0xbe: {  	s3 =	sand.u32 $0x4000, s31;
	s1 =	sadd.s32 s1, s30  }
0xbf: {  	s0 =	sor.u32 s3, s0;
	s1 =	sshll.u32 s1, $0x11  }
0xc0: {  	s0 =	sor.u32 s1, s0  }
0xc1: {  	s0 =	sadd.s32 $0x8F2B, s0  }
0xc2: {  	[sflag:s0] =	ssyncadd.remote.s32 $0x1  }
0xc3: {  	_ =	sfence.sel $0xFFFF  }
0xc4: {  	[dreg:$0x0] =	wrdreg $0xFFFFFFFF;
	(pc) =	sbr.abs _section_cstart, $3  }
0xc5: {  	[dreg:$0x1] =	wrdreg $0xFFFFFFFF  }
0xc6: {  	_ =	task.clear_ibuf [dreg:s9], $0x2FFFF;
	_ =	strace $0x9FFFFFFF  }
0xc7: {  	(tm) =	ssettm $0x7FFFFFFF  }
tec
execute0_lowered:
.L_overlay_start_1:
0x0: {  	(tag) =	ssettag $0x1  }
0x1: {  	s1 =	rddreg [dreg:$0x0]  }
0x2: {  	s2 =	rddreg [dreg:$0x1]  }
0x3: {  	s9 =	rddreg [dreg:$0x2]  }
0x4: {  	s0 =	rddreg [dreg:$0x3]  }
0x5: {  	s5 =	rddreg [dreg:$0x4];
	s11 =	simm.s32 $0x0  }
0x6: {  	s3 =	srdreg.scid;
	s10 =	stileid.u32;
	s23 =	simm.s32 $0x5  }
0x7: {  	s26 =	simm.s32 $0x1;
	s28 =	simm.s32 $0x3;
	s29 =	simm.s32 $0x1BE80  }
0x8: {  	s30 =	simm.s32 $0x1D780;
	s31 =	simm.s32 $0xC80;
	s7 =	smul.u32 $0x1B200, s10  }
0x9: {  	[smem:$0x7FF] =	sst s11;
	s4 =	sand.u32 $0x1, s3;
	s6 =	smul.u32 $0x190, s10  }
0xa: {  	s12 =	sadd.s32 $0x800, s0;
	s16 =	smul.u32 $0x17C00, s10;
	s13 =	sor.u32 $0x20, s10  }
0xb: {  	s14 =	ssub.s32 $0x271, s10;
	_ =	strace $0x8000004A;
	[dreg:$0x7] =	wrdreg s4  }
0xc: {  	s21 =	sshll.u32 s10, $0x6;
	s3 =	ssub.s32 $0x2, s4;
	[dreg:$0x9] =	wrdreg s12  }
0xd: {  	s4 =	smul.u32 $0xBE, s4;
	s25 =	sor.u32 $0x1C05, s21;
	[dreg:$0x8] =	wrdreg s7  }
0xe: {  	s15 =	sshrl.u32 s3, $0x1;
	s8 =	sadd.s32 s1, s6;
	[dreg:$0x11] =	wrdreg s25  }
0xf: {  	s7 =	sadd.s32 s7, s5;
	s6 =	sadd.s32 s2, s6;
	[dreg:$0xb] =	wrdreg s8  }
0x10: {  	s0 =	ssub.s32 s3, s15;
	s24 =	sadd.s32 $0x1E84, s4;
	[dreg:$0xc] =	wrdreg s6  }
0x11: {  	s15 =	sshll.u32 s10, $0xC;
	s3 =	sadd.s32 s16, s5;
	s22 =	sadd.s32 $0x1F42, s4  }
0x12: {  	s8 =	sshrl.u32 s7, $0x3;
	s17 =	sshll.u32 s24, $0xD;
	[dreg:$0xd] =	wrdreg s3  }
0x13: {  	s4 =	simm.s32 $0x1F080;
	[dreg:$0xa] =	wrdreg s24;
	s18 =	sadd.s32 s16, s17  }
0x14: {  	s0 =	smax.u32 s0, $0x1;
	[dreg:$0x12] =	wrdreg s8;
	s6 =	sshrl.u32 s18, $0x3  }
0x15: {  	[dreg:$0x10] =	wrdreg s0;
	s0 =	simm.s32 $0x1E400;
	s19 =	sadd.s32 s9, s6  }
0x16: {  	v2 =	vlaneseq.u32;
	s16 =	simm.s32 $0x2;
	s20 =	sadd.s32 s12, s6;
	[dreg:$0xe] =	wrdreg s19  }
0x17: {  	v3 =	vimm.f32 $0.0e+00;
	v0 =	vmov s22;
	v1 =	vmov s24;
	s17 =	simm.s32 $0x4;
	[dreg:$0xf] =	wrdreg s20;
	s20 =	sor.u32 $0x10, s10  }
.LBB2_1:
0x18: {  	[dreg:$0x6] =	wrdreg s11;
	s18 =	simm.s32 $0x0  }
.LBB2_2:
0x19: {  	s3 =	sshll.u32 s18, $0x1;
	s6 =	rddreg [dreg:$0x7]  }
0x1a: {  	s3 =	sor.u32 s6, s3  }
0x1b: {  	s6 =	smul.u32 $0x1B2000, s3  }
0x1c: {  	s7 =	rddreg [dreg:$0x8]  }
0x1d: {  	s6 =	sadd.s32 s7, s6  }
0x1e: {  	s11 =	rddreg [dreg:$0x2];
	s19 =	sshrl.u32 s6, $0x3  }
0x1f: {  	s6 =	sadd.s32 s11, s19  }
0x20: {  	[spmem:s8], [sflag:s25] =	dma.local [hbm:s6], $0x3640  }
0x21: {  	_ =	swait.ge [sflag:s23], $0x3640  }
0x22: {  	[sflag:s23] =	ssyncset.done $0x0  }
0x23: {  	[sflag:s23] =	ssyncadd.s32 $0xFFFFC9C0  }
0x24: {  	s21 =	simm.s32 $0x1B200;
	[bflag:$0x0] =	sbarrier.arrive $0xFFFF  }
0x25: {  	s3 =	smul.u32 $0xD9, s3;
	s6 =	simm.s32 $0x0;
	s12 =	rddreg [dreg:$0xb]  }
0x26: {  	[tilespmem:s21], [sflag:$0x1] =	stream.linear.gather [hbm4b:s12+s6], $0xC80, $0x38;
	[tilespmem:$0x1FD00] =	vst v63  }
0x27: {  	s24 =	simm.s32 $0x1CB00;
	s25 =	sadd.s32 $0xD9, s3;
	s22 =	rddreg [dreg:$0xc]  }
0x28: {  	[tilespmem:s24], [sflag:$0x3] =	stream.linear.gather [hbm4b:s22+s6], $0xC80, $0x38;
	[tilespmem:$0x1FD00] =	vst v63  }
0x29: {  	v4 =	vmov s3;
	v5 =	vmov s25;
	s24 =	simm.s32 $0x0  }
.LBB2_3:
0x2a: {  	_ =	swait.ge [sflag:s26], $0xC80;
	s25 =	sshll.u32 s24, $0x5  }
0x2b: {  	[sflag:s26] =	ssyncset.done $0x0;
	s7 =	sor.u32 s20, s25  }
0x2c: {  	[sflag:s26] =	ssyncadd.s32 $0xFFFFF380;
	s7 =	smin.u32 s7, $0x270  }
0x2d: {  	_ =	swait.ge [sflag:s28], $0xC80;
	s7 =	smul.u32 $0x190, s7  }
0x2e: {  	[sflag:s28] =	ssyncset.done $0x0  }
0x2f: {  	[sflag:s28] =	ssyncadd.s32 $0xFFFFF380;
	s8 =	sadd.s32 s1, s7  }
0x30: {  	[tilespmem:s29], [sflag:$0x2] =	stream.linear.gather [hbm4b:s8+s6], $0xC80, $0x38;
	[tilespmem:$0x1FD00] =	vst v63  }
0x31: {  	s7 =	sadd.s32 s2, s7;
	s8 =	simm.s32 $0x1B220  }
0x32: {  	[tilespmem:s30], [sflag:$0x4] =	stream.linear.gather [hbm4b:s7+s6], $0xC80, $0x38;
	[tilespmem:$0x1FD00] =	vst v63  }
0x33: {  	v6 =	vld [tilespmem:s8+$0xFFFFFFE0]  }
0x34: {  	s9 =	simm.s32 $0x1CB20  }
0x35: {  	v7 =	vld [tilespmem:s9+$0xFFFFFFE0];
	_ =	sdelay $0x2  }
0x36: {  	s11 =	sand.u32 $0x3F0, s6;
	v8 =	vsub.s32 v6, v4  }
0x37: {  	s7 =	sor.u32 s15, s11;
	vm1 =	vlt.s32 v6, v5;
	vm0 =	vgt.s32 v8, $0xFFFFFFFF;
	v6 =	vshll.u32 v8, $0xD  }
0x38: {  	v8 =	vor.u32 s7, v2;
	vm0 =	vmand vm1, vm0;
	v6 =	vadd.s32 v7, v6  }
0x39: {  	s11 =	simm.s32 $0x1E420;
	v6 =	vsel vm0, v6, v8  }
0x3a: {  	s7 =	simm.s32 $0x1F0A0;
	[tilespmem:s11+$0xFFFFFFE0] =	vst v6;
	v6 =	vsel vm0, $0x3F800000, v3  }
0x3b: {  	[tilespmem:s7+$0xFFFFFFE0] =	vst v6  }
0x3c: {  	v6 =	vld [tilespmem:s8+$0xFFFFFFF0];
	_ =	sdelay $0x1  }
0x3d: {  	v7 =	vld [tilespmem:s9+$0xFFFFFFF0];
	_ =	sdelay $0x1  }
0x3e: {  	s10 =	simm.s32 $0x10  }
0x3f: {  	s10 =	sand.u32 $0x3F0, s10;
	v8 =	vsub.s32 v6, v4  }
0x40: {  	s10 =	sor.u32 s15, s10;
	vm9 =	vlt.s32 v6, v5;
	vm8 =	vgt.s32 v8, $0xFFFFFFFF;
	v6 =	vshll.u32 v8, $0xD  }
0x41: {  	v8 =	vor.u32 s10, v2;
	vm0 =	vmand vm9, vm8;
	v6 =	vadd.s32 v7, v6  }
0x42: {  	v6 =	vsel vm0, v6, v8  }
0x43: {  	[tilespmem:s11+$0xFFFFFFF0] =	vst v6;
	v6 =	vsel vm0, $0x3F800000, v3  }
0x44: {  	[tilespmem:s7+$0xFFFFFFF0] =	vst v6  }
0x45: {  	v6 =	vld [tilespmem:s8+$0x0];
	_ =	sdelay $0x1  }
0x46: {  	v7 =	vld [tilespmem:s9+$0x0];
	_ =	sdelay $0x1  }
0x47: {  	s12 =	simm.s32 $0x20  }
0x48: {  	s10 =	sand.u32 $0x3F0, s12;
	v8 =	vsub.s32 v6, v4  }
0x49: {  	s10 =	sor.u32 s15, s10;
	vm11 =	vlt.s32 v6, v5;
	vm10 =	vgt.s32 v8, $0xFFFFFFFF;
	v6 =	vshll.u32 v8, $0xD  }
0x4a: {  	v8 =	vor.u32 s10, v2;
	vm0 =	vmand vm11, vm10;
	v6 =	vadd.s32 v7, v6  }
0x4b: {  	v6 =	vsel vm0, v6, v8  }
0x4c: {  	[tilespmem:s11+$0x0] =	vst v6;
	v6 =	vsel vm0, $0x3F800000, v3  }
0x4d: {  	[tilespmem:s7+$0x0] =	vst v6  }
0x4e: {  	v6 =	vld [tilespmem:s8+$0x10];
	_ =	sdelay $0x1  }
0x4f: {  	v7 =	vld [tilespmem:s9+$0x10];
	_ =	sdelay $0x1  }
0x50: {  	s21 =	simm.s32 $0x30  }
0x51: {  	s10 =	sand.u32 $0x3F0, s21;
	v8 =	vsub.s32 v6, v4  }
0x52: {  	s10 =	sor.u32 s15, s10;
	vm13 =	vlt.s32 v6, v5;
	vm12 =	vgt.s32 v8, $0xFFFFFFFF;
	v6 =	vshll.u32 v8, $0xD  }
0x53: {  	v8 =	vor.u32 s10, v2;
	vm0 =	vmand vm13, vm12;
	v6 =	vadd.s32 v7, v6  }
0x54: {  	v6 =	vsel vm0, v6, v8  }
0x55: {  	[tilespmem:s11+$0x10] =	vst v6;
	v6 =	vsel vm0, $0x3F800000, v3  }
0x56: {  	[tilespmem:s7+$0x10] =	vst v6  }
0x57: {  	v6 =	vld [tilespmem:s8+$0x20];
	_ =	sdelay $0x1  }
0x58: {  	v7 =	vld [tilespmem:s9+$0x20];
	_ =	sdelay $0x1  }
0x59: {  	s22 =	simm.s32 $0x40  }
0x5a: {  	s9 =	sand.u32 $0x3F0, s22;
	v8 =	vsub.s32 v6, v4  }
0x5b: {  	s9 =	sor.u32 s15, s9;
	vm15 =	vlt.s32 v6, v5;
	vm14 =	vgt.s32 v8, $0xFFFFFFFF;
	v6 =	vshll.u32 v8, $0xD  }
0x5c: {  	v8 =	vor.u32 s9, v2;
	vm0 =	vmand vm15, vm14;
	v6 =	vadd.s32 v7, v6  }
0x5d: {  	s12 =	simm.s32 $0x1F0F0;
	s10 =	simm.s32 $0x1CB70;
	v6 =	vsel vm0, v6, v8  }
0x5e: {  	s22 =	simm.s32 $0x0;
	s9 =	simm.s32 $0x0;
	[tilespmem:s11+$0x20] =	vst v6;
	v6 =	vsel vm0, $0x3F800000, v3;
	s11 =	simm.s32 $0x1E470  }
.LBB2_4:
0x5f: {  	s9 =	sadd.s32 $0x5, s9;
	[tilespmem:s7+$0x20] =	vst v6;
	s22 =	sadd.s32 $0x50, s22;
	s8 =	sadd.s32 $0x50, s8  }
0x60: {  	s7 =	smov.u32 s12;
	v6 =	vld [tilespmem:s8+$0xFFFFFFE0];
	p0 =	slt.u32 s9, $0xC3;
	_ =	sdelay $0x1  }
0x61: {  	v7 =	vld [tilespmem:s10+$0xFFFFFFE0];
	_ =	sdelay $0x2  }
0x62: {  	s21 =	sand.u32 $0x3F0, s22;
	v8 =	vsub.s32 v6, v4  }
0x63: {  	s21 =	sor.u32 s15, s21;
	vm1 =	vlt.s32 v6, v5;
	vm0 =	vgt.s32 v8, $0xFFFFFFFF;
	v6 =	vshll.u32 v8, $0xD  }
0x64: {  	v8 =	vor.u32 s21, v2;
	vm0 =	vmand vm1, vm0;
	v6 =	vadd.s32 v7, v6  }
0x65: {  	v6 =	vsel vm0, v6, v8  }
0x66: {  	[tilespmem:s11+$0xFFFFFFE0] =	vst v6;
	v6 =	vsel vm0, $0x3F800000, v3  }
0x67: {  	[tilespmem:s12+$0xFFFFFFE0] =	vst v6  }
0x68: {  	v6 =	vld [tilespmem:s8+$0xFFFFFFF0];
	_ =	sdelay $0x1  }
0x69: {  	v7 =	vld [tilespmem:s10+$0xFFFFFFF0];
	_ =	sdelay $0x1  }
0x6a: {  	s21 =	sadd.s32 $0x10, s22  }
0x6b: {  	s21 =	sand.u32 $0x3F0, s21;
	v8 =	vsub.s32 v6, v4  }
0x6c: {  	s21 =	sor.u32 s15, s21;
	vm1 =	vlt.s32 v6, v5;
	vm0 =	vgt.s32 v8, $0xFFFFFFFF;
	v6 =	vshll.u32 v8, $0xD  }
0x6d: {  	v8 =	vor.u32 s21, v2;
	vm0 =	vmand vm1, vm0;
	v6 =	vadd.s32 v7, v6  }
0x6e: {  	v6 =	vsel vm0, v6, v8  }
0x6f: {  	[tilespmem:s11+$0xFFFFFFF0] =	vst v6;
	v6 =	vsel vm0, $0x3F800000, v3  }
0x70: {  	[tilespmem:s12+$0xFFFFFFF0] =	vst v6  }
0x71: {  	v6 =	vld [tilespmem:s8+$0x0];
	_ =	sdelay $0x1  }
0x72: {  	v7 =	vld [tilespmem:s10+$0x0];
	_ =	sdelay $0x1  }
0x73: {  	s21 =	sadd.s32 $0x20, s22  }
0x74: {  	s21 =	sand.u32 $0x3F0, s21;
	v8 =	vsub.s32 v6, v4  }
0x75: {  	s21 =	sor.u32 s15, s21;
	vm1 =	vlt.s32 v6, v5;
	vm0 =	vgt.s32 v8, $0xFFFFFFFF;
	v6 =	vshll.u32 v8, $0xD  }
0x76: {  	v8 =	vor.u32 s21, v2;
	vm0 =	vmand vm1, vm0;
	v6 =	vadd.s32 v7, v6  }
0x77: {  	v6 =	vsel vm0, v6, v8  }
0x78: {  	[tilespmem:s11+$0x0] =	vst v6;
	v6 =	vsel vm0, $0x3F800000, v3  }
0x79: {  	[tilespmem:s12+$0x0] =	vst v6  }
0x7a: {  	v6 =	vld [tilespmem:s8+$0x10]  }
0x7b: {  	v7 =	vld [tilespmem:s10+$0x10];
	_ =	sdelay $0x2  }
0x7c: {  	s21 =	sadd.s32 $0x30, s22  }
0x7d: {  	s21 =	sand.u32 $0x3F0, s21;
	v8 =	vsub.s32 v6, v4  }
0x7e: {  	s21 =	sor.u32 s15, s21;
	vm1 =	vlt.s32 v6, v5;
	vm0 =	vgt.s32 v8, $0xFFFFFFFF;
	v6 =	vshll.u32 v8, $0xD  }
0x7f: {  	v8 =	vor.u32 s21, v2;
	vm0 =	vmand vm1, vm0;
	v6 =	vadd.s32 v7, v6  }
0x80: {  	v6 =	vsel vm0, v6, v8  }
0x81: {  	[tilespmem:s11+$0x10] =	vst v6;
	v6 =	vsel vm0, $0x3F800000, v3  }
0x82: {  	[tilespmem:s12+$0x10] =	vst v6  }
0x83: {  	v6 =	vld [tilespmem:s8+$0x20]  }
0x84: {  	v7 =	vld [tilespmem:s10+$0x20];
	_ =	sdelay $0x2  }
0x85: {  	s21 =	sadd.s32 $0x40, s22  }
.Ltmp0:
0x86: {  	s21 =	sand.u32 $0x3F0, s21;
	v8 =	vsub.s32 v6, v4;
	(pc) =	sbr.rel @p0 .LBB2_4-.Ltmp0, $4  }
0x87: {  	s21 =	sor.u32 s15, s21;
	vm1 =	vlt.s32 v6, v5;
	vm0 =	vgt.s32 v8, $0xFFFFFFFF;
	v6 =	vshll.u32 v8, $0xD  }
0x88: {  	v8 =	vor.u32 s21, v2;
	vm0 =	vmand vm1, vm0;
	v6 =	vadd.s32 v7, v6  }
0x89: {  	v6 =	vsel vm0, v6, v8  }
0x8a: {  	s12 =	sadd.s32 $0x50, s12;
	s10 =	sadd.s32 $0x50, s10;
	[tilespmem:s11+$0x20] =	vst v6;
	v6 =	vsel vm0, $0x3F800000, v3;
	s11 =	sadd.s32 $0x50, s11  }
0x8b: {  	[tilespmem:s7+$0x20] =	vst v6  }
0x8c: {  	[spmem:s5] =	stream.indirect.scatter.add.f32 [tilespmem:s4], [sflag:$0x5], $0x1, s0, s31, $0xb8;
	[tilespmem:$0x1FD00] =	vst v63  }
0x8d: {  	_ =	swait.ge [sflag:s23], $0xC80  }
0x8e: {  	[sflag:s23] =	ssyncset.done $0x0  }
0x8f: {  	s12 =	sshllo.u32 s24, $0x1;
	[sflag:s23] =	ssyncadd.s32 $0xFFFFF380  }
0x90: {  	p0 =	sgt.u32 s12, $0x26;
	_ =	swait.ge [sflag:s16], $0xC80  }
0x91: {  	s8 =	sadd.s32 @!p0 s13, s25;
	[sflag:s16] =	ssyncset.done $0x0  }
0x92: {  	s8 =	smin.u32 @!p0 s8, $0x270;
	[sflag:s16] =	ssyncadd.s32 $0xFFFFF380  }
0x93: {  	s8 =	smul.u32 @!p0 $0x190, s8;
	_ =	swait.ge [sflag:s17], $0xC80  }
0x94: {  	s10 =	simm.s32 @!p0 $0x0;
	[sflag:s17] =	ssyncset.done $0x0  }
0x95: {  	s11 =	simm.s32 @!p0 $0x1B200;
	s9 =	sadd.s32 @!p0 s1, s8;
	[sflag:s17] =	ssyncadd.s32 $0xFFFFF380  }
0x96: {  	[tilespmem:s11], [sflag:$0x1] =	stream.linear.gather @!p0 [hbm4b:s9+s10], $0xC80, $0x38;
	[tilespmem:$0x1FD00] =	vst v63  }
0x97: {  	s25 =	simm.s32 $0x1BEA0;
	s8 =	sadd.s32 @!p0 s2, s8;
	s9 =	simm.s32 @!p0 $0x1CB00  }
0x98: {  	[tilespmem:s9], [sflag:$0x3] =	stream.linear.gather @!p0 [hbm4b:s8+s10], $0xC80, $0x38;
	[tilespmem:$0x1FD00] =	vst v63  }
0x99: {  	v7 =	vld [tilespmem:s25+$0xFFFFFFE0]  }
0x9a: {  	s7 =	sshll.u32 s12, $0x4;
	s9 =	simm.s32 $0x1D7A0  }
0x9b: {  	p0 =	slt.u32 s7, s14;
	s7 =	simm.s32 $0xD9;
	v8 =	vld [tilespmem:s9+$0xFFFFFFE0]  }
0x9c: {  	s7 =	simm.s32 @!p0 $0x0  }
0x9d: {  	s8 =	simm.s32 $0x0;
	s7 =	sadd.s32 s3, s7  }
0x9e: {  	s21 =	sand.u32 $0x3F0, s8;
	v6 =	vmov s7;
	v9 =	vsub.s32 v7, v4  }
0x9f: {  	s7 =	sor.u32 s15, s21;
	vm1 =	vlt.s32 v7, v6;
	vm0 =	vgt.s32 v9, $0xFFFFFFFF;
	v7 =	vshll.u32 v9, $0xD  }
0xa0: {  	v55 =	vor.u32 s7, v2;
	vm0 =	vmand vm1, vm0;
	v7 =	vadd.s32 v8, v7  }
0xa1: {  	s10 =	simm.s32 $0x1E420;
	v7 =	vsel vm0, v7, v55  }
0xa2: {  	s7 =	simm.s32 $0x1F0A0;
	[tilespmem:s10+$0xFFFFFFE0] =	vst v7;
	v7 =	vsel vm0, $0x3F800000, v3  }
0xa3: {  	[tilespmem:s7+$0xFFFFFFE0] =	vst v7  }
0xa4: {  	v7 =	vld [tilespmem:s25+$0xFFFFFFF0];
	_ =	sdelay $0x1  }
0xa5: {  	v8 =	vld [tilespmem:s9+$0xFFFFFFF0];
	_ =	sdelay $0x1  }
0xa6: {  	s22 =	simm.s32 $0x10  }
0xa7: {  	s11 =	sand.u32 $0x3F0, s22;
	v56 =	vsub.s32 v7, v4  }
0xa8: {  	s11 =	sor.u32 s15, s11;
	vm9 =	vlt.s32 v7, v6;
	vm8 =	vgt.s32 v56, $0xFFFFFFFF;
	v7 =	vshll.u32 v56, $0xD  }
0xa9: {  	v57 =	vor.u32 s11, v2;
	vm0 =	vmand vm9, vm8;
	v7 =	vadd.s32 v8, v7  }
0xaa: {  	v7 =	vsel vm0, v7, v57  }
0xab: {  	[tilespmem:s10+$0xFFFFFFF0] =	vst v7;
	v7 =	vsel vm0, $0x3F800000, v3  }
0xac: {  	[tilespmem:s7+$0xFFFFFFF0] =	vst v7  }
0xad: {  	v7 =	vld [tilespmem:s25+$0x0];
	_ =	sdelay $0x1  }
0xae: {  	v8 =	vld [tilespmem:s9+$0x0];
	_ =	sdelay $0x1  }
0xaf: {  	s12 =	simm.s32 $0x20  }
0xb0: {  	s11 =	sand.u32 $0x3F0, s12;
	v58 =	vsub.s32 v7, v4  }
0xb1: {  	s11 =	sor.u32 s15, s11;
	vm11 =	vlt.s32 v7, v6;
	vm10 =	vgt.s32 v58, $0xFFFFFFFF;
	v7 =	vshll.u32 v58, $0xD  }
0xb2: {  	v59 =	vor.u32 s11, v2;
	vm0 =	vmand vm11, vm10;
	v7 =	vadd.s32 v8, v7  }
0xb3: {  	v7 =	vsel vm0, v7, v59  }
0xb4: {  	[tilespmem:s10+$0x0] =	vst v7;
	v7 =	vsel vm0, $0x3F800000, v3  }
0xb5: {  	[tilespmem:s7+$0x0] =	vst v7  }
0xb6: {  	v7 =	vld [tilespmem:s25+$0x10];
	_ =	sdelay $0x1  }
0xb7: {  	v8 =	vld [tilespmem:s9+$0x10];
	_ =	sdelay $0x1  }
0xb8: {  	s21 =	simm.s32 $0x30  }
0xb9: {  	s11 =	sand.u32 $0x3F0, s21;
	v60 =	vsub.s32 v7, v4  }
0xba: {  	s11 =	sor.u32 s15, s11;
	vm13 =	vlt.s32 v7, v6;
	vm12 =	vgt.s32 v60, $0xFFFFFFFF;
	v7 =	vshll.u32 v60, $0xD  }
0xbb: {  	v61 =	vor.u32 s11, v2;
	vm0 =	vmand vm13, vm12;
	v7 =	vadd.s32 v8, v7  }
0xbc: {  	v7 =	vsel vm0, v7, v61  }
0xbd: {  	[tilespmem:s10+$0x10] =	vst v7;
	v7 =	vsel vm0, $0x3F800000, v3  }
0xbe: {  	[tilespmem:s7+$0x10] =	vst v7  }
0xbf: {  	v7 =	vld [tilespmem:s25+$0x20];
	_ =	sdelay $0x1  }
0xc0: {  	v8 =	vld [tilespmem:s9+$0x20];
	_ =	sdelay $0x1  }
0xc1: {  	s22 =	simm.s32 $0x40  }
0xc2: {  	s9 =	sand.u32 $0x3F0, s22;
	v62 =	vsub.s32 v7, v4  }
0xc3: {  	s9 =	sor.u32 s15, s9;
	vm15 =	vlt.s32 v7, v6;
	vm14 =	vgt.s32 v62, $0xFFFFFFFF;
	v7 =	vshll.u32 v62, $0xD  }
0xc4: {  	v63 =	vor.u32 s9, v2;
	vm0 =	vmand vm15, vm14;
	v7 =	vadd.s32 v8, v7  }
0xc5: {  	s12 =	simm.s32 $0x1F0F0;
	v7 =	vsel vm0, v7, v63  }
0xc6: {  	s11 =	simm.s32 $0x1E470;
	s9 =	simm.s32 $0x0;
	[tilespmem:s10+$0x20] =	vst v7;
	v7 =	vsel vm0, $0x3F800000, v3;
	s10 =	simm.s32 $0x1D7F0  }
.LBB2_6:
0xc7: {  	s9 =	sadd.s32 $0x5, s9;
	[tilespmem:s7+$0x20] =	vst v7;
	s8 =	sadd.s32 $0x50, s8;
	s25 =	sadd.s32 $0x50, s25  }
0xc8: {  	s7 =	smov.u32 s12;
	v7 =	vld [tilespmem:s25+$0xFFFFFFE0];
	p0 =	slt.u32 s9, $0xC3;
	_ =	sdelay $0x1  }
0xc9: {  	v8 =	vld [tilespmem:s10+$0xFFFFFFE0];
	_ =	sdelay $0x2  }
0xca: {  	s21 =	sand.u32 $0x3F0, s8;
	v9 =	vsub.s32 v7, v4  }
0xcb: {  	s21 =	sor.u32 s15, s21;
	vm1 =	vlt.s32 v7, v6;
	vm0 =	vgt.s32 v9, $0xFFFFFFFF;
	v7 =	vshll.u32 v9, $0xD  }
0xcc: {  	v9 =	vor.u32 s21, v2;
	vm0 =	vmand vm1, vm0;
	v7 =	vadd.s32 v8, v7  }
0xcd: {  	v7 =	vsel vm0, v7, v9  }
0xce: {  	[tilespmem:s11+$0xFFFFFFE0] =	vst v7;
	v7 =	vsel vm0, $0x3F800000, v3  }
0xcf: {  	[tilespmem:s12+$0xFFFFFFE0] =	vst v7  }
0xd0: {  	v7 =	vld [tilespmem:s25+$0xFFFFFFF0];
	_ =	sdelay $0x1  }
0xd1: {  	v8 =	vld [tilespmem:s10+$0xFFFFFFF0];
	_ =	sdelay $0x1  }
0xd2: {  	s21 =	sadd.s32 $0x10, s8  }
0xd3: {  	s21 =	sand.u32 $0x3F0, s21;
	v9 =	vsub.s32 v7, v4  }
0xd4: {  	s21 =	sor.u32 s15, s21;
	vm1 =	vlt.s32 v7, v6;
	vm0 =	vgt.s32 v9, $0xFFFFFFFF;
	v7 =	vshll.u32 v9, $0xD  }
0xd5: {  	v9 =	vor.u32 s21, v2;
	vm0 =	vmand vm1, vm0;
	v7 =	vadd.s32 v8, v7  }
0xd6: {  	v7 =	vsel vm0, v7, v9  }
0xd7: {  	[tilespmem:s11+$0xFFFFFFF0] =	vst v7;
	v7 =	vsel vm0, $0x3F800000, v3  }
0xd8: {  	[tilespmem:s12+$0xFFFFFFF0] =	vst v7  }
0xd9: {  	v7 =	vld [tilespmem:s25+$0x0];
	_ =	sdelay $0x1  }
0xda: {  	v8 =	vld [tilespmem:s10+$0x0];
	_ =	sdelay $0x1  }
0xdb: {  	s21 =	sadd.s32 $0x20, s8  }
0xdc: {  	s21 =	sand.u32 $0x3F0, s21;
	v9 =	vsub.s32 v7, v4  }
0xdd: {  	s21 =	sor.u32 s15, s21;
	vm1 =	vlt.s32 v7, v6;
	vm0 =	vgt.s32 v9, $0xFFFFFFFF;
	v7 =	vshll.u32 v9, $0xD  }
0xde: {  	v9 =	vor.u32 s21, v2;
	vm0 =	vmand vm1, vm0;
	v7 =	vadd.s32 v8, v7  }
0xdf: {  	v7 =	vsel vm0, v7, v9  }
0xe0: {  	[tilespmem:s11+$0x0] =	vst v7;
	v7 =	vsel vm0, $0x3F800000, v3  }
0xe1: {  	[tilespmem:s12+$0x0] =	vst v7  }
0xe2: {  	v7 =	vld [tilespmem:s25+$0x10]  }
0xe3: {  	v8 =	vld [tilespmem:s10+$0x10];
	_ =	sdelay $0x2  }
0xe4: {  	s21 =	sadd.s32 $0x30, s8  }
0xe5: {  	s21 =	sand.u32 $0x3F0, s21;
	v9 =	vsub.s32 v7, v4  }
0xe6: {  	s21 =	sor.u32 s15, s21;
	vm1 =	vlt.s32 v7, v6;
	vm0 =	vgt.s32 v9, $0xFFFFFFFF;
	v7 =	vshll.u32 v9, $0xD  }
0xe7: {  	v9 =	vor.u32 s21, v2;
	vm0 =	vmand vm1, vm0;
	v7 =	vadd.s32 v8, v7  }
0xe8: {  	v7 =	vsel vm0, v7, v9  }
0xe9: {  	[tilespmem:s11+$0x10] =	vst v7;
	v7 =	vsel vm0, $0x3F800000, v3  }
0xea: {  	[tilespmem:s12+$0x10] =	vst v7  }
0xeb: {  	v7 =	vld [tilespmem:s25+$0x20]  }
0xec: {  	v8 =	vld [tilespmem:s10+$0x20];
	_ =	sdelay $0x2  }
0xed: {  	s21 =	sadd.s32 $0x40, s8  }
.Ltmp1:
0xee: {  	s21 =	sand.u32 $0x3F0, s21;
	v9 =	vsub.s32 v7, v4;
	(pc) =	sbr.rel @p0 .LBB2_6-.Ltmp1, $4  }
0xef: {  	s21 =	sor.u32 s15, s21;
	vm1 =	vlt.s32 v7, v6;
	vm0 =	vgt.s32 v9, $0xFFFFFFFF;
	v7 =	vshll.u32 v9, $0xD  }
0xf0: {  	v9 =	vor.u32 s21, v2;
	vm0 =	vmand vm1, vm0;
	v7 =	vadd.s32 v8, v7  }
0xf1: {  	v7 =	vsel vm0, v7, v9  }
0xf2: {  	s12 =	sadd.s32 $0x50, s12;
	s10 =	sadd.s32 $0x50, s10;
	[tilespmem:s11+$0x20] =	vst v7;
	v7 =	vsel vm0, $0x3F800000, v3;
	s11 =	sadd.s32 $0x50, s11  }
0xf3: {  	s24 =	sadd.s32 $0x1, s24  }
0xf4: {  	p0 =	sne.s32 s24, $0x14  }
.Ltmp2:
0xf5: {  	[tilespmem:s7+$0x20] =	vst v7;
	(pc) =	sbr.rel @p0 .LBB2_3-.Ltmp2, $4  }
0xf6: {  	[spmem:s5] =	stream.indirect.scatter.add.f32 [tilespmem:s4], [sflag:$0x5], $0x1, s0, s31, $0xb8;
	[tilespmem:$0x1FD00] =	vst v63  }
0xf7: {  	_ =	swait.ge [sflag:s23], $0xC80  }
0xf8: {  	[sflag:s23] =	ssyncset.done $0x0  }
0xf9: {  	[sflag:s23] =	ssyncadd.s32 $0xFFFFF380  }
0xfa: {  	[bflag:$0x0] =	sbarrier.arrive $0xFFFF  }
0xfb: {  	s3 =	rddreg [dreg:$0x9]  }
0xfc: {  	s18 =	sadd.s32 $0x1, s18;
	s25 =	rddreg [dreg:$0x11]  }
0xfd: {  	s8 =	rddreg [dreg:$0x12];
	p0 =	sne.s32 s18, $0x12;
	s3 =	sadd.s32 s3, s19  }
0xfe: {  	[hbm:s3], [sflag:s25] =	dma.local [spmem:s8], $0x3640  }
.Ltmp3:
0xff: {  	_ =	swait.ge [sflag:s23], $0x3640;
	(pc) =	sbr.rel @p0 .LBB2_2-.Ltmp3, $3  }
0x100: {  	[sflag:s23] =	ssyncset.done $0x0  }
0x101: {  	[sflag:s23] =	ssyncadd.s32 $0xFFFFC9C0  }
0x102: {  	[bflag:$0x0] =	sbarrier.arrive $0xFFFF;
	_ =	sdelay $0x1  }
0x103: {  	s3 =	rddreg [dreg:$0xd]  }
0x104: {  	s21 =	rddreg [dreg:$0xe];
	s18 =	sshrl.u32 s3, $0x3  }
0x105: {  	[spmem:s18], [sflag:s25] =	dma.local [hbm:s21], $0x2F80  }
0x106: {  	_ =	swait.ge [sflag:s23], $0x2F80  }
0x107: {  	[sflag:s23] =	ssyncset.done $0x0  }
0x108: {  	[sflag:s23] =	ssyncadd.s32 $0xFFFFD080  }
0x109: {  	[bflag:$0x0] =	sbarrier.arrive $0xFFFF  }
0x10a: {  	s7 =	simm.s32 $0x1B200;
	s3 =	simm.s32 $0x0;
	s6 =	rddreg [dreg:$0xb]  }
0x10b: {  	[tilespmem:s7], [sflag:$0x1] =	stream.linear.gather [hbm4b:s6+s3], $0xC80, $0x38;
	[tilespmem:$0x1FD00] =	vst v63  }
0x10c: {  	s24 =	simm.s32 $0x1CB00;
	s22 =	rddreg [dreg:$0xc]  }
0x10d: {  	[tilespmem:s24], [sflag:$0x3] =	stream.linear.gather [hbm4b:s22+s3], $0xC80, $0x38;
	[tilespmem:$0x1FD00] =	vst v63  }
0x10e: {  	s6 =	simm.s32 $0x0;
	s24 =	rddreg [dreg:$0xa]  }
.LBB2_10:
0x10f: {  	_ =	swait.ge [sflag:s26], $0xC80;
	s19 =	sshll.u32 s6, $0x5  }
0x110: {  	[sflag:s26] =	ssyncset.done $0x0;
	s7 =	sor.u32 s20, s19  }
0x111: {  	[sflag:s26] =	ssyncadd.s32 $0xFFFFF380;
	s7 =	smin.u32 s7, $0x270  }
0x112: {  	_ =	swait.ge [sflag:s28], $0xC80;
	s7 =	smul.u32 $0x190, s7  }
0x113: {  	[sflag:s28] =	ssyncset.done $0x0  }
0x114: {  	[sflag:s28] =	ssyncadd.s32 $0xFFFFF380;
	s8 =	sadd.s32 s1, s7  }
0x115: {  	[tilespmem:s29], [sflag:$0x2] =	stream.linear.gather [hbm4b:s8+s3], $0xC80, $0x38;
	[tilespmem:$0x1FD00] =	vst v63  }
0x116: {  	s7 =	sadd.s32 s2, s7;
	s8 =	simm.s32 $0x1B220  }
0x117: {  	[tilespmem:s30], [sflag:$0x4] =	stream.linear.gather [hbm4b:s7+s3], $0xC80, $0x38;
	[tilespmem:$0x1FD00] =	vst v63  }
0x118: {  	v4 =	vld [tilespmem:s8+$0xFFFFFFE0]  }
0x119: {  	s9 =	simm.s32 $0x1CB20  }
0x11a: {  	v5 =	vld [tilespmem:s9+$0xFFFFFFE0];
	_ =	sdelay $0x2  }
0x11b: {  	s11 =	sand.u32 $0x3F0, s3;
	v6 =	vsub.s32 v4, v1  }
0x11c: {  	s7 =	sor.u32 s15, s11;
	vm1 =	vlt.s32 v4, v0;
	vm0 =	vgt.s32 v6, $0xFFFFFFFF;
	v4 =	vshll.u32 v6, $0xD  }
0x11d: {  	v6 =	vor.u32 s7, v2;
	vm0 =	vmand vm1, vm0;
	v4 =	vadd.s32 v5, v4  }
0x11e: {  	s11 =	simm.s32 $0x1E420;
	v4 =	vsel vm0, v4, v6  }
0x11f: {  	s7 =	simm.s32 $0x1F0A0;
	[tilespmem:s11+$0xFFFFFFE0] =	vst v4;
	v4 =	vsel vm0, $0x3F800000, v3  }
0x120: {  	[tilespmem:s7+$0xFFFFFFE0] =	vst v4  }
0x121: {  	v4 =	vld [tilespmem:s8+$0xFFFFFFF0];
	_ =	sdelay $0x1  }
0x122: {  	v5 =	vld [tilespmem:s9+$0xFFFFFFF0];
	_ =	sdelay $0x1  }
0x123: {  	s10 =	simm.s32 $0x10  }
0x124: {  	s10 =	sand.u32 $0x3F0, s10;
	v6 =	vsub.s32 v4, v1  }
0x125: {  	s10 =	sor.u32 s15, s10;
	vm9 =	vlt.s32 v4, v0;
	vm8 =	vgt.s32 v6, $0xFFFFFFFF;
	v4 =	vshll.u32 v6, $0xD  }
0x126: {  	v6 =	vor.u32 s10, v2;
	vm0 =	vmand vm9, vm8;
	v4 =	vadd.s32 v5, v4  }
0x127: {  	v4 =	vsel vm0, v4, v6  }
0x128: {  	[tilespmem:s11+$0xFFFFFFF0] =	vst v4;
	v4 =	vsel vm0, $0x3F800000, v3  }
0x129: {  	[tilespmem:s7+$0xFFFFFFF0] =	vst v4  }
0x12a: {  	v4 =	vld [tilespmem:s8+$0x0];
	_ =	sdelay $0x1  }
0x12b: {  	v5 =	vld [tilespmem:s9+$0x0];
	_ =	sdelay $0x1  }
0x12c: {  	s12 =	simm.s32 $0x20  }
0x12d: {  	s10 =	sand.u32 $0x3F0, s12;
	v6 =	vsub.s32 v4, v1  }
0x12e: {  	s10 =	sor.u32 s15, s10;
	vm11 =	vlt.s32 v4, v0;
	vm10 =	vgt.s32 v6, $0xFFFFFFFF;
	v4 =	vshll.u32 v6, $0xD  }
0x12f: {  	v6 =	vor.u32 s10, v2;
	vm0 =	vmand vm11, vm10;
	v4 =	vadd.s32 v5, v4  }
0x130: {  	v4 =	vsel vm0, v4, v6  }
0x131: {  	[tilespmem:s11+$0x0] =	vst v4;
	v4 =	vsel vm0, $0x3F800000, v3  }
0x132: {  	[tilespmem:s7+$0x0] =	vst v4  }
0x133: {  	v4 =	vld [tilespmem:s8+$0x10];
	_ =	sdelay $0x1  }
0x134: {  	v5 =	vld [tilespmem:s9+$0x10];
	_ =	sdelay $0x1  }
0x135: {  	s21 =	simm.s32 $0x30  }
0x136: {  	s10 =	sand.u32 $0x3F0, s21;
	v6 =	vsub.s32 v4, v1  }
0x137: {  	s10 =	sor.u32 s15, s10;
	vm13 =	vlt.s32 v4, v0;
	vm12 =	vgt.s32 v6, $0xFFFFFFFF;
	v4 =	vshll.u32 v6, $0xD  }
0x138: {  	v6 =	vor.u32 s10, v2;
	vm0 =	vmand vm13, vm12;
	v4 =	vadd.s32 v5, v4  }
0x139: {  	v4 =	vsel vm0, v4, v6  }
0x13a: {  	[tilespmem:s11+$0x10] =	vst v4;
	v4 =	vsel vm0, $0x3F800000, v3  }
0x13b: {  	[tilespmem:s7+$0x10] =	vst v4  }
0x13c: {  	v4 =	vld [tilespmem:s8+$0x20];
	_ =	sdelay $0x1  }
0x13d: {  	v5 =	vld [tilespmem:s9+$0x20];
	_ =	sdelay $0x1  }
0x13e: {  	s22 =	simm.s32 $0x40  }
0x13f: {  	s9 =	sand.u32 $0x3F0, s22;
	v6 =	vsub.s32 v4, v1  }
0x140: {  	s9 =	sor.u32 s15, s9;
	vm15 =	vlt.s32 v4, v0;
	vm14 =	vgt.s32 v6, $0xFFFFFFFF;
	v4 =	vshll.u32 v6, $0xD  }
0x141: {  	v6 =	vor.u32 s9, v2;
	vm0 =	vmand vm15, vm14;
	v4 =	vadd.s32 v5, v4  }
0x142: {  	s12 =	simm.s32 $0x1F0F0;
	s10 =	simm.s32 $0x1CB70;
	v4 =	vsel vm0, v4, v6  }
0x143: {  	s22 =	simm.s32 $0x0;
	s9 =	simm.s32 $0x0;
	[tilespmem:s11+$0x20] =	vst v4;
	v4 =	vsel vm0, $0x3F800000, v3;
	s11 =	simm.s32 $0x1E470  }
.LBB2_11:
0x144: {  	s9 =	sadd.s32 $0x5, s9;
	[tilespmem:s7+$0x20] =	vst v4;
	s22 =	sadd.s32 $0x50, s22;
	s8 =	sadd.s32 $0x50, s8  }
0x145: {  	s7 =	smov.u32 s12;
	v4 =	vld [tilespmem:s8+$0xFFFFFFE0];
	p0 =	slt.u32 s9, $0xC3;
	_ =	sdelay $0x1  }
0x146: {  	v5 =	vld [tilespmem:s10+$0xFFFFFFE0];
	_ =	sdelay $0x2  }
0x147: {  	s21 =	sand.u32 $0x3F0, s22;
	v6 =	vsub.s32 v4, v1  }
0x148: {  	s21 =	sor.u32 s15, s21;
	vm1 =	vlt.s32 v4, v0;
	vm0 =	vgt.s32 v6, $0xFFFFFFFF;
	v4 =	vshll.u32 v6, $0xD  }
0x149: {  	v6 =	vor.u32 s21, v2;
	vm0 =	vmand vm1, vm0;
	v4 =	vadd.s32 v5, v4  }
0x14a: {  	v4 =	vsel vm0, v4, v6  }
0x14b: {  	[tilespmem:s11+$0xFFFFFFE0] =	vst v4;
	v4 =	vsel vm0, $0x3F800000, v3  }
0x14c: {  	[tilespmem:s12+$0xFFFFFFE0] =	vst v4  }
0x14d: {  	v4 =	vld [tilespmem:s8+$0xFFFFFFF0];
	_ =	sdelay $0x1  }
0x14e: {  	v5 =	vld [tilespmem:s10+$0xFFFFFFF0];
	_ =	sdelay $0x1  }
0x14f: {  	s21 =	sadd.s32 $0x10, s22  }
0x150: {  	s21 =	sand.u32 $0x3F0, s21;
	v6 =	vsub.s32 v4, v1  }
0x151: {  	s21 =	sor.u32 s15, s21;
	vm1 =	vlt.s32 v4, v0;
	vm0 =	vgt.s32 v6, $0xFFFFFFFF;
	v4 =	vshll.u32 v6, $0xD  }
0x152: {  	v6 =	vor.u32 s21, v2;
	vm0 =	vmand vm1, vm0;
	v4 =	vadd.s32 v5, v4  }
0x153: {  	v4 =	vsel vm0, v4, v6  }
0x154: {  	[tilespmem:s11+$0xFFFFFFF0] =	vst v4;
	v4 =	vsel vm0, $0x3F800000, v3  }
0x155: {  	[tilespmem:s12+$0xFFFFFFF0] =	vst v4  }
0x156: {  	v4 =	vld [tilespmem:s8+$0x0];
	_ =	sdelay $0x1  }
0x157: {  	v5 =	vld [tilespmem:s10+$0x0];
	_ =	sdelay $0x1  }
0x158: {  	s21 =	sadd.s32 $0x20, s22  }
0x159: {  	s21 =	sand.u32 $0x3F0, s21;
	v6 =	vsub.s32 v4, v1  }
0x15a: {  	s21 =	sor.u32 s15, s21;
	vm1 =	vlt.s32 v4, v0;
	vm0 =	vgt.s32 v6, $0xFFFFFFFF;
	v4 =	vshll.u32 v6, $0xD  }
0x15b: {  	v6 =	vor.u32 s21, v2;
	vm0 =	vmand vm1, vm0;
	v4 =	vadd.s32 v5, v4  }
0x15c: {  	v4 =	vsel vm0, v4, v6  }
0x15d: {  	[tilespmem:s11+$0x0] =	vst v4;
	v4 =	vsel vm0, $0x3F800000, v3  }
0x15e: {  	[tilespmem:s12+$0x0] =	vst v4  }
0x15f: {  	v4 =	vld [tilespmem:s8+$0x10]  }
0x160: {  	v5 =	vld [tilespmem:s10+$0x10];
	_ =	sdelay $0x2  }
0x161: {  	s21 =	sadd.s32 $0x30, s22  }
0x162: {  	s21 =	sand.u32 $0x3F0, s21;
	v6 =	vsub.s32 v4, v1  }
0x163: {  	s21 =	sor.u32 s15, s21;
	vm1 =	vlt.s32 v4, v0;
	vm0 =	vgt.s32 v6, $0xFFFFFFFF;
	v4 =	vshll.u32 v6, $0xD  }
0x164: {  	v6 =	vor.u32 s21, v2;
	vm0 =	vmand vm1, vm0;
	v4 =	vadd.s32 v5, v4  }
0x165: {  	v4 =	vsel vm0, v4, v6  }
0x166: {  	[tilespmem:s11+$0x10] =	vst v4;
	v4 =	vsel vm0, $0x3F800000, v3  }
0x167: {  	[tilespmem:s12+$0x10] =	vst v4  }
0x168: {  	v4 =	vld [tilespmem:s8+$0x20]  }
0x169: {  	v5 =	vld [tilespmem:s10+$0x20];
	_ =	sdelay $0x2  }
0x16a: {  	s21 =	sadd.s32 $0x40, s22  }
.Ltmp4:
0x16b: {  	s21 =	sand.u32 $0x3F0, s21;
	v6 =	vsub.s32 v4, v1;
	(pc) =	sbr.rel @p0 .LBB2_11-.Ltmp4, $4  }
0x16c: {  	s21 =	sor.u32 s15, s21;
	vm1 =	vlt.s32 v4, v0;
	vm0 =	vgt.s32 v6, $0xFFFFFFFF;
	v4 =	vshll.u32 v6, $0xD  }
0x16d: {  	v6 =	vor.u32 s21, v2;
	vm0 =	vmand vm1, vm0;
	v4 =	vadd.s32 v5, v4  }
0x16e: {  	v4 =	vsel vm0, v4, v6  }
0x16f: {  	s12 =	sadd.s32 $0x50, s12;
	s10 =	sadd.s32 $0x50, s10;
	[tilespmem:s11+$0x20] =	vst v4;
	v4 =	vsel vm0, $0x3F800000, v3;
	s11 =	sadd.s32 $0x50, s11  }
0x170: {  	[tilespmem:s7+$0x20] =	vst v4  }
0x171: {  	[spmem:s5] =	stream.indirect.scatter.add.f32 [tilespmem:s4], [sflag:$0x5], $0x1, s0, s31, $0xb8;
	[tilespmem:$0x1FD00] =	vst v63  }
0x172: {  	_ =	swait.ge [sflag:s23], $0xC80  }
0x173: {  	[sflag:s23] =	ssyncset.done $0x0  }
0x174: {  	s12 =	sshllo.u32 s6, $0x1;
	[sflag:s23] =	ssyncadd.s32 $0xFFFFF380  }
0x175: {  	p0 =	sgt.u32 s12, $0x26;
	_ =	swait.ge [sflag:s16], $0xC80  }
0x176: {  	s8 =	sadd.s32 @!p0 s13, s19;
	[sflag:s16] =	ssyncset.done $0x0  }
0x177: {  	s8 =	smin.u32 @!p0 s8, $0x270;
	[sflag:s16] =	ssyncadd.s32 $0xFFFFF380  }
0x178: {  	s8 =	smul.u32 @!p0 $0x190, s8;
	_ =	swait.ge [sflag:s17], $0xC80  }
0x179: {  	s10 =	simm.s32 @!p0 $0x0;
	[sflag:s17] =	ssyncset.done $0x0  }
0x17a: {  	s11 =	simm.s32 @!p0 $0x1B200;
	s9 =	sadd.s32 @!p0 s1, s8;
	[sflag:s17] =	ssyncadd.s32 $0xFFFFF380  }
0x17b: {  	[tilespmem:s11], [sflag:$0x1] =	stream.linear.gather @!p0 [hbm4b:s9+s10], $0xC80, $0x38;
	[tilespmem:$0x1FD00] =	vst v63  }
0x17c: {  	s19 =	simm.s32 $0x1BEA0;
	s8 =	sadd.s32 @!p0 s2, s8;
	s9 =	simm.s32 @!p0 $0x1CB00  }
0x17d: {  	[tilespmem:s9], [sflag:$0x3] =	stream.linear.gather @!p0 [hbm4b:s8+s10], $0xC80, $0x38;
	[tilespmem:$0x1FD00] =	vst v63  }
0x17e: {  	v5 =	vld [tilespmem:s19+$0xFFFFFFE0]  }
0x17f: {  	s7 =	sshll.u32 s12, $0x4;
	s9 =	simm.s32 $0x1D7A0  }
0x180: {  	p0 =	slt.u32 s7, s14;
	s7 =	simm.s32 $0xBE;
	v6 =	vld [tilespmem:s9+$0xFFFFFFE0]  }
0x181: {  	s7 =	simm.s32 @!p0 $0x0  }
0x182: {  	s8 =	simm.s32 $0x0;
	s7 =	sadd.s32 s24, s7  }
0x183: {  	s21 =	sand.u32 $0x3F0, s8;
	v4 =	vmov s7;
	v7 =	vsub.s32 v5, v1  }
0x184: {  	s7 =	sor.u32 s15, s21;
	vm1 =	vlt.s32 v5, v4;
	vm0 =	vgt.s32 v7, $0xFFFFFFFF;
	v5 =	vshll.u32 v7, $0xD  }
0x185: {  	v7 =	vor.u32 s7, v2;
	vm0 =	vmand vm1, vm0;
	v5 =	vadd.s32 v6, v5  }
0x186: {  	s10 =	simm.s32 $0x1E420;
	v5 =	vsel vm0, v5, v7  }
0x187: {  	s7 =	simm.s32 $0x1F0A0;
	[tilespmem:s10+$0xFFFFFFE0] =	vst v5;
	v5 =	vsel vm0, $0x3F800000, v3  }
0x188: {  	[tilespmem:s7+$0xFFFFFFE0] =	vst v5  }
0x189: {  	v5 =	vld [tilespmem:s19+$0xFFFFFFF0];
	_ =	sdelay $0x1  }
0x18a: {  	v6 =	vld [tilespmem:s9+$0xFFFFFFF0];
	_ =	sdelay $0x1  }
0x18b: {  	s22 =	simm.s32 $0x10  }
0x18c: {  	s11 =	sand.u32 $0x3F0, s22;
	v7 =	vsub.s32 v5, v1  }
0x18d: {  	s11 =	sor.u32 s15, s11;
	vm9 =	vlt.s32 v5, v4;
	vm8 =	vgt.s32 v7, $0xFFFFFFFF;
	v5 =	vshll.u32 v7, $0xD  }
0x18e: {  	v7 =	vor.u32 s11, v2;
	vm0 =	vmand vm9, vm8;
	v5 =	vadd.s32 v6, v5  }
0x18f: {  	v5 =	vsel vm0, v5, v7  }
0x190: {  	[tilespmem:s10+$0xFFFFFFF0] =	vst v5;
	v5 =	vsel vm0, $0x3F800000, v3  }
0x191: {  	[tilespmem:s7+$0xFFFFFFF0] =	vst v5  }
0x192: {  	v5 =	vld [tilespmem:s19+$0x0];
	_ =	sdelay $0x1  }
0x193: {  	v6 =	vld [tilespmem:s9+$0x0];
	_ =	sdelay $0x1  }
0x194: {  	s12 =	simm.s32 $0x20  }
0x195: {  	s11 =	sand.u32 $0x3F0, s12;
	v7 =	vsub.s32 v5, v1  }
0x196: {  	s11 =	sor.u32 s15, s11;
	vm11 =	vlt.s32 v5, v4;
	vm10 =	vgt.s32 v7, $0xFFFFFFFF;
	v5 =	vshll.u32 v7, $0xD  }
0x197: {  	v7 =	vor.u32 s11, v2;
	vm0 =	vmand vm11, vm10;
	v5 =	vadd.s32 v6, v5  }
0x198: {  	v5 =	vsel vm0, v5, v7  }
0x199: {  	[tilespmem:s10+$0x0] =	vst v5;
	v5 =	vsel vm0, $0x3F800000, v3  }
0x19a: {  	[tilespmem:s7+$0x0] =	vst v5  }
0x19b: {  	v5 =	vld [tilespmem:s19+$0x10];
	_ =	sdelay $0x1  }
0x19c: {  	v6 =	vld [tilespmem:s9+$0x10];
	_ =	sdelay $0x1  }
0x19d: {  	s21 =	simm.s32 $0x30  }
0x19e: {  	s11 =	sand.u32 $0x3F0, s21;
	v7 =	vsub.s32 v5, v1  }
0x19f: {  	s11 =	sor.u32 s15, s11;
	vm13 =	vlt.s32 v5, v4;
	vm12 =	vgt.s32 v7, $0xFFFFFFFF;
	v5 =	vshll.u32 v7, $0xD  }
0x1a0: {  	v7 =	vor.u32 s11, v2;
	vm0 =	vmand vm13, vm12;
	v5 =	vadd.s32 v6, v5  }
0x1a1: {  	v5 =	vsel vm0, v5, v7  }
0x1a2: {  	[tilespmem:s10+$0x10] =	vst v5;
	v5 =	vsel vm0, $0x3F800000, v3  }
0x1a3: {  	[tilespmem:s7+$0x10] =	vst v5  }
0x1a4: {  	v5 =	vld [tilespmem:s19+$0x20];
	_ =	sdelay $0x1  }
0x1a5: {  	v6 =	vld [tilespmem:s9+$0x20];
	_ =	sdelay $0x1  }
0x1a6: {  	s22 =	simm.s32 $0x40  }
0x1a7: {  	s9 =	sand.u32 $0x3F0, s22;
	v7 =	vsub.s32 v5, v1  }
0x1a8: {  	s9 =	sor.u32 s15, s9;
	vm15 =	vlt.s32 v5, v4;
	vm14 =	vgt.s32 v7, $0xFFFFFFFF;
	v5 =	vshll.u32 v7, $0xD  }
0x1a9: {  	v7 =	vor.u32 s9, v2;
	vm0 =	vmand vm15, vm14;
	v5 =	vadd.s32 v6, v5  }
0x1aa: {  	s12 =	simm.s32 $0x1F0F0;
	v5 =	vsel vm0, v5, v7  }
0x1ab: {  	s11 =	simm.s32 $0x1E470;
	s9 =	simm.s32 $0x0;
	[tilespmem:s10+$0x20] =	vst v5;
	v5 =	vsel vm0, $0x3F800000, v3;
	s10 =	simm.s32 $0x1D7F0  }
.LBB2_13:
0x1ac: {  	s9 =	sadd.s32 $0x5, s9;
	[tilespmem:s7+$0x20] =	vst v5;
	s8 =	sadd.s32 $0x50, s8;
	s19 =	sadd.s32 $0x50, s19  }
0x1ad: {  	s7 =	smov.u32 s12;
	v5 =	vld [tilespmem:s19+$0xFFFFFFE0];
	p0 =	slt.u32 s9, $0xC3;
	_ =	sdelay $0x1  }
0x1ae: {  	v6 =	vld [tilespmem:s10+$0xFFFFFFE0];
	_ =	sdelay $0x2  }
0x1af: {  	s21 =	sand.u32 $0x3F0, s8;
	v7 =	vsub.s32 v5, v1  }
0x1b0: {  	s21 =	sor.u32 s15, s21;
	vm1 =	vlt.s32 v5, v4;
	vm0 =	vgt.s32 v7, $0xFFFFFFFF;
	v5 =	vshll.u32 v7, $0xD  }
0x1b1: {  	v7 =	vor.u32 s21, v2;
	vm0 =	vmand vm1, vm0;
	v5 =	vadd.s32 v6, v5  }
0x1b2: {  	v5 =	vsel vm0, v5, v7  }
0x1b3: {  	[tilespmem:s11+$0xFFFFFFE0] =	vst v5;
	v5 =	vsel vm0, $0x3F800000, v3  }
0x1b4: {  	[tilespmem:s12+$0xFFFFFFE0] =	vst v5  }
0x1b5: {  	v5 =	vld [tilespmem:s19+$0xFFFFFFF0];
	_ =	sdelay $0x1  }
0x1b6: {  	v6 =	vld [tilespmem:s10+$0xFFFFFFF0];
	_ =	sdelay $0x1  }
0x1b7: {  	s21 =	sadd.s32 $0x10, s8  }
0x1b8: {  	s21 =	sand.u32 $0x3F0, s21;
	v7 =	vsub.s32 v5, v1  }
0x1b9: {  	s21 =	sor.u32 s15, s21;
	vm1 =	vlt.s32 v5, v4;
	vm0 =	vgt.s32 v7, $0xFFFFFFFF;
	v5 =	vshll.u32 v7, $0xD  }
0x1ba: {  	v7 =	vor.u32 s21, v2;
	vm0 =	vmand vm1, vm0;
	v5 =	vadd.s32 v6, v5  }
0x1bb: {  	v5 =	vsel vm0, v5, v7  }
0x1bc: {  	[tilespmem:s11+$0xFFFFFFF0] =	vst v5;
	v5 =	vsel vm0, $0x3F800000, v3  }
0x1bd: {  	[tilespmem:s12+$0xFFFFFFF0] =	vst v5  }
0x1be: {  	v5 =	vld [tilespmem:s19+$0x0];
	_ =	sdelay $0x1  }
0x1bf: {  	v6 =	vld [tilespmem:s10+$0x0];
	_ =	sdelay $0x1  }
0x1c0: {  	s21 =	sadd.s32 $0x20, s8  }
0x1c1: {  	s21 =	sand.u32 $0x3F0, s21;
	v7 =	vsub.s32 v5, v1  }
0x1c2: {  	s21 =	sor.u32 s15, s21;
	vm1 =	vlt.s32 v5, v4;
	vm0 =	vgt.s32 v7, $0xFFFFFFFF;
	v5 =	vshll.u32 v7, $0xD  }
0x1c3: {  	v7 =	vor.u32 s21, v2;
	vm0 =	vmand vm1, vm0;
	v5 =	vadd.s32 v6, v5  }
0x1c4: {  	v5 =	vsel vm0, v5, v7  }
0x1c5: {  	[tilespmem:s11+$0x0] =	vst v5;
	v5 =	vsel vm0, $0x3F800000, v3  }
0x1c6: {  	[tilespmem:s12+$0x0] =	vst v5  }
0x1c7: {  	v5 =	vld [tilespmem:s19+$0x10]  }
0x1c8: {  	v6 =	vld [tilespmem:s10+$0x10];
	_ =	sdelay $0x2  }
0x1c9: {  	s21 =	sadd.s32 $0x30, s8  }
0x1ca: {  	s21 =	sand.u32 $0x3F0, s21;
	v7 =	vsub.s32 v5, v1  }
0x1cb: {  	s21 =	sor.u32 s15, s21;
	vm1 =	vlt.s32 v5, v4;
	vm0 =	vgt.s32 v7, $0xFFFFFFFF;
	v5 =	vshll.u32 v7, $0xD  }
0x1cc: {  	v7 =	vor.u32 s21, v2;
	vm0 =	vmand vm1, vm0;
	v5 =	vadd.s32 v6, v5  }
0x1cd: {  	v5 =	vsel vm0, v5, v7  }
0x1ce: {  	[tilespmem:s11+$0x10] =	vst v5;
	v5 =	vsel vm0, $0x3F800000, v3  }
0x1cf: {  	[tilespmem:s12+$0x10] =	vst v5  }
0x1d0: {  	v5 =	vld [tilespmem:s19+$0x20]  }
0x1d1: {  	v6 =	vld [tilespmem:s10+$0x20];
	_ =	sdelay $0x2  }
0x1d2: {  	s21 =	sadd.s32 $0x40, s8  }
.Ltmp5:
0x1d3: {  	s21 =	sand.u32 $0x3F0, s21;
	v7 =	vsub.s32 v5, v1;
	(pc) =	sbr.rel @p0 .LBB2_13-.Ltmp5, $4  }
0x1d4: {  	s21 =	sor.u32 s15, s21;
	vm1 =	vlt.s32 v5, v4;
	vm0 =	vgt.s32 v7, $0xFFFFFFFF;
	v5 =	vshll.u32 v7, $0xD  }
0x1d5: {  	v7 =	vor.u32 s21, v2;
	vm0 =	vmand vm1, vm0;
	v5 =	vadd.s32 v6, v5  }
0x1d6: {  	v5 =	vsel vm0, v5, v7  }
0x1d7: {  	s12 =	sadd.s32 $0x50, s12;
	s10 =	sadd.s32 $0x50, s10;
	[tilespmem:s11+$0x20] =	vst v5;
	v5 =	vsel vm0, $0x3F800000, v3;
	s11 =	sadd.s32 $0x50, s11  }
0x1d8: {  	s6 =	sadd.s32 $0x1, s6  }
0x1d9: {  	p0 =	sne.s32 s6, $0x14  }
.Ltmp6:
0x1da: {  	[tilespmem:s7+$0x20] =	vst v5;
	(pc) =	sbr.rel @p0 .LBB2_10-.Ltmp6, $4  }
0x1db: {  	[spmem:s5] =	stream.indirect.scatter.add.f32 [tilespmem:s4], [sflag:$0x5], $0x1, s0, s31, $0xb8;
	[tilespmem:$0x1FD00] =	vst v63  }
0x1dc: {  	_ =	swait.ge [sflag:s23], $0xC80  }
0x1dd: {  	[sflag:s23] =	ssyncset.done $0x0  }
0x1de: {  	[sflag:s23] =	ssyncadd.s32 $0xFFFFF380  }
0x1df: {  	[bflag:$0x0] =	sbarrier.arrive $0xFFFF  }
0x1e0: {  	s3 =	rddreg [dreg:$0xf]  }
0x1e1: {  	[hbm:s3], [sflag:s25] =	dma.local [spmem:s18], $0x2F80  }
0x1e2: {  	_ =	swait.ge [sflag:s23], $0x2F80  }
0x1e3: {  	s11 =	rddreg [dreg:$0x6]  }
0x1e4: {  	s24 =	rddreg [dreg:$0x10];
	s11 =	sadd.s32 $0x1, s11  }
0x1e5: {  	p0 =	sne.s32 s11, s24  }
.Ltmp7:
0x1e6: {  	_ = 	snop;
	(pc) =	sbr.rel @p0 .LBB2_1-.Ltmp7, $3  }
0x1e7: {  	_ =	sdelay $0x1  }
0x1e8: {  	[sflag:s23] =	ssyncset.done $0x0  }
0x1e9: {  	s8 =	rddreg [dreg:$0x12];
	[sflag:s23] =	ssyncadd.s32 $0xFFFFD080  }
0x1ea: {  	_ =	sfence.sel $0x180000  }
0x1eb: {  	[bflag:$0x0] =	sbarrier.arrive $0xFFFF  }
0x1ec: {  	_ =	strace $0x9000004A  }
0x1ed: {  	s0 =	stileid.u32;
	[bflag:$0x2] =	sbarrier.arrive $0xFFFF  }
0x1ee: {  	p0 =	sne.s32 s0, $0x0;
	s0 =	rddreg [dreg:$0x5]  }
0x1ef: {  	s0 =	sadd.s32 @!p0 $0x100000, s0  }
0x1f0: {  	[sflag:s0] =	ssyncadd.tile.s32 @!p0 $0x1;
	_ =	shalt  }
.Lfunc_end2:
_tile_overlayer_lowered:
.L_overlay_start_2:
0x1f1: {  	(tag) =	ssettag $0x2  }
0x1f2: {  	s0 =	rddreg [dreg:$0x0];
	s2 =	stileid.u32  }
0x1f3: {  	s1 =	rddreg [dreg:$0x1];
	p0 =	sne.s32 s2, $0x0  }
0x1f4: {  	s3 =	rddreg [dreg:$0x2];
	[bflag:$0x3] =	sbarrier.arrive $0xFFFF;
	s2 =	simm.s32 @!p0 $0x1C05  }
0x1f5: {  	[timem:s3], [sflag:s2] =	dma.local @!p0 [hbm:s0], s1  }
0x1f6: {  	s0 =	simm.s32 @!p0 $0x5  }
0x1f7: {  	_ =	swait.ge @!p0 [sflag:s0], s1  }
0x1f8: {  	s1 =	ssub.s32 @!p0 $0x0, s1;
	[sflag:s0] =	ssyncset.done @!p0 $0x0  }
0x1f9: {  	[sflag:s0] =	ssyncadd.s32 @!p0 s1  }
0x1fa: {  	[bflag:$0x3] =	sbarrier.arrive $0xFFFF  }
0x1fb: {  	_ =	shalt  }

// kernel: sparse-core-data-format-call.cloned.1.call-start
scs
called_computation_lowered:
.L_overlay_start_0:
0x0: {  	s2 =	sld [smem:$0x3FD9]  }
0x1: {  	s3 =	sld [smem:$0x3FFE];
	_ =	sdelay $0x1  }
0x2: {  	s1 =	srdreg.scid  }
0x3: {  	s0 =	sand.u32 $0x1, s1  }
0x4: {  	s19 =	sshll.u32 s0, $0xA;
	s2 =	sadd.s32 s3, s2  }
0x5: {  	s2 =	sadd.s32 s2, s19  }
0x6: {  	[smem:$0x3FC5] =	sst s2  }
0x7: {  	_ = 	snop  }
0x8: {  	s2 =	sld [smem:$0x3FC7]  }
0x9: {  	s20 =	sld [smem:$0x3FD0];
	(tm) =	ssettm $0x1  }
0xa: {  	s4 =	sld [smem:$0x3FFB];
	_ =	sdelay $0x3  }
0xb: {  	_ =	strace s4  }
0xc: {  	s4 =	sld [smem:$0x3FFC];
	_ =	sdelay $0x3  }
0xd: {  	_ =	strace s4  }
0xe: {  	s4 =	sld [smem:$0x3FFD];
	_ =	sdelay $0x3  }
0xf: {  	_ =	strace s4  }
0x10: {  	_ =	strace $0x8FFFFFFF  }
0x11: {  	s21 =	sld [smem:$0x3FDB];
	_ =	sdelay $0x1  }
0x12: {  	s5 =	simm.s32 $_scs_section_size  }
0x13: {  	s6 =	simm.s32 $_size__tile_overlayer_lowered;
	s7 =	simm.s32 $_tile_overlayer_lowered  }
0x14: {  	s24 =	simm.s32 $0x1BFF;
	s23 =	sshll.u32 s7, $0x1;
	s4 =	sadd.s32 s5, s21  }
0x15: {  	s8 =	simm.s32 $0x0;
	s22 =	sshll.u32 s6, $0x1;
	s6 =	sadd.s32 s23, s4  }
0x16: {  	[timem:s8], [sflag:s24] =	dma.local [hbm:s6], s22  }
0x17: {  	_ =	swait.ge [sflag:s24], s22  }
0x18: {  	s5 =	ssub.s32 $0x0, s22;
	[sflag:s24] =	ssyncset.done $0x0  }
0x19: {  	[sflag:s24] =	ssyncadd.s32 s5;
	_ =	sdelay $0x1  }
0x1a: {  	s25 =	simm.s32 $0x1B8B  }
0x1b: {  	_ =	swait.ge [sflag:s25], $0x1  }
0x1c: {  	[sflag:s25] =	ssyncset.done $0x0  }
0x1d: {  	s26 =	simm.s32 $0x1B8E;
	[sflag:s25] =	ssyncadd.s32 $0xFFFFFFFF  }
0x1e: {  	s27 =	simm.s32 $execute0_lowered;
	[smem:$0x3FD2] =	sst s26  }
0x1f: {  	s5 =	sshll.u32 s27, $0x1;
	_ =	strace $0x80000046;
	[dreg:$0x1] =	wrdreg $0xFFFFFFFF  }
0x20: {  	s28 =	simm.s32 $_size_execute0_lowered;
	s4 =	sadd.s32 s4, s5;
	[dreg:$0x0] =	wrdreg $0x0  }
0x21: {  	s5 =	sshll.u32 s28, $0x1;
	[dreg:$0x2] =	wrdreg s4  }
0x22: {  	[dreg:$0x3] =	wrdreg s5  }
0x23: {  	[dreg:$0x4] =	wrdreg $0xC0  }
0x24: {  	_ =	task [dreg:s8], $0x5FFFF  }
0x25: {  	[dreg:$0x1] =	wrdreg $0xFFFFFFFF  }
0x26: {  	[dreg:$0x0] =	wrdreg $0x60  }
0x27: {  	[dreg:$0x2] =	wrdreg s2  }
0x28: {  	[dreg:$0x3] =	wrdreg s20  }
0x29: {  	[dreg:$0x4] =	wrdreg $0x9  }
0x2a: {  	_ =	task.clear_ibuf [dreg:s8], $0x5FFFF;
	_ =	strace $0x90000046  }
0x2b: {  	s29 =	simm.s32 $0x9;
	_ =	strace $0x80000048  }
0x2c: {  	_ =	swait.ge [sflag:s29], $0x1  }
0x2d: {  	[sflag:s29] =	ssyncadd.s32 $0xFFFFFFFF  }
0x2e: {  	_ =	strace $0x90000048  }
0x2f: {  	_ =	sfence  }
0x30: {  	s30 =	sld [smem:$0x0];
	_ =	sdelay $0x2  }
0x31: {  	s31 =	sshll.u32 s1, $0xD;
	s1 =	sshrl.u32 s1, $0x2  }
0x32: {  	s3 =	sand.u32 $0x4000, s31;
	s1 =	sadd.s32 s1, s30  }
0x33: {  	s0 =	sor.u32 s3, s0;
	s1 =	sshll.u32 s1, $0x11  }
0x34: {  	s0 =	sor.u32 s1, s0  }
0x35: {  	s0 =	sadd.s32 $0x8F2B, s0  }
0x36: {  	[sflag:s0] =	ssyncadd.remote.s32 $0x1  }
0x37: {  	_ =	sfence.sel $0xFFFF  }
0x38: {  	[dreg:$0x0] =	wrdreg $0xFFFFFFFF;
	(pc) =	sbr.abs _section_cstart, $3  }
0x39: {  	[dreg:$0x1] =	wrdreg $0xFFFFFFFF  }
0x3a: {  	_ =	task.clear_ibuf [dreg:s8], $0x2FFFF;
	_ =	strace $0x9FFFFFFF  }
0x3b: {  	(tm) =	ssettm $0x7FFFFFFF  }
tec
execute0_lowered:
.L_overlay_start_1:
0x0: {  	(tag) =	ssettag $0x1  }
0x1: {  	s2 =	rddreg [dreg:$0x0]  }
0x2: {  	s3 =	rddreg [dreg:$0x1]  }
0x3: {  	s0 =	rddreg [dreg:$0x2];
	_ =	strace $0x80000047  }
0x4: {  	s4 =	srdreg.scid;
	s1 =	stileid.u32;
	s6 =	simm.s32 $0x2  }
.Ltmp0:
0x5: {  	s11 =	simm.s32 $0x0;
	p0 =	por $0x0, $0x0;
	(pc) =	sbr.rel .LBB1_1-.Ltmp0, $4  }
0x6: {  	s7 =	simm.s32 $0x2000;
	s12 =	simm.s32 $0x0;
	s5 =	sshll.u32 s4, $0x4  }
0x7: {  	s9 =	simm.s32 $0x0;
	s4 =	simm.s32 $0x1;
	s5 =	sand.u32 $0x10, s5  }
0x8: {  	s8 =	simm.s32 $0x0;
	[sflag:s4] =	ssyncpa.u1 $0x0;
	s5 =	sor.u32 s1, s5  }
0x9: {  	[sflag:s6] =	ssyncpa.u1 $0x0;
	s6 =	simm.s32 $0x800;
	s10 =	smov.u32 s5  }
.LBB1_7:
0xa: {  	s13 =	sadd.s32 $0x10, s9  }
0xb: {  	s11 =	sadd.s32 $0x20, s10;
	s15 =	smov.u32 s10;
	p2 =	sgt.s32 s13, $0x3F  }
0xc: {  	p1 =	slt.u32 s8, $0x2;
	s15 =	smov.u32 @p2 s11  }
0xd: {  	s8 =	sadd.s32 $0x1, s8;
	s13 =	simm.s32 @p2 $0x0;
	p2 =	sgt.s32 s15, $0x3FF  }
0xe: {  	s15 =	smov.u32 @p2 s5;
	p2 =	sne.s32 s8, $0x82  }
.Ltmp1:
0xf: {  	_ = 	snop;
	(pc) =	sbr.rel @!p2 .LBB1_8-.Ltmp1, $4  }
0x10: {  	s14 =	simm.s32 @!p1 $0x2  }
0x11: {  	s12 =	smov.u32 s10;
	_ =	swait.ge @!p1 [sflag:s14], $0x4000  }
0x12: {  	p0 =	por !p0, !p0;
	s11 =	smov.u32 s9;
	[sflag:s14] =	ssyncset.done @!p1 $0x0  }
0x13: {  	s9 =	smov.u32 s13;
	[sflag:s14] =	ssyncadd.s32 @!p1 $0xFFFFC000;
	s10 =	smov.u32 s15  }
.LBB1_1:
0x14: {  	p1 =	sgt.u32 s8, $0x7F  }
0x15: {  	s13 =	sxor.u32 @!p1 $0xFFFFFFFF, s8;
	s14 =	sshll.u32 @!p1 s10, $0xD  }
0x16: {  	s15 =	sshll.u32 @!p1 s9, $0x7;
	s13 =	sshll.u32 @!p1 s13, $0xE;
	s14 =	sadd.s32 @!p1 s2, s14  }
0x17: {  	s13 =	sand.u32 @!p1 $0x4000, s13;
	s14 =	sadd.s32 @!p1 s15, s14;
	s15 =	simm.s32 @!p1 $0x0  }
0x18: {  	[tilespmem:s13], [sflag:$0x1] =	stream.linear.gather @!p1 [hbm4b:s14+s15], $0x4000, $0x38;
	[tilespmem:$0x10000] =	vst v63  }
0x19: {  	p1 =	seq.s32 s8, $0x0  }
0x1a: {  	p2 =	seq.s32 @!p1 s8, $0x81  }
0x1b: {  	p1 =	por p1, p2  }
.Ltmp2:
0x1c: {  	_ = 	snop;
	(pc) =	sbr.rel @p1 .LBB1_7-.Ltmp2, $1  }
0x1d: {  	_ =	sdelay $0x3  }
0x1e: {  	s13 =	simm.s32 $0x1;
	_ =	swait.ge [sflag:s4], $0x4000;
	s16 =	sshll.u32 s8, $0xE  }
0x1f: {  	s13 =	simm.s32 @!p0 $0x0;
	[sflag:s4] =	ssyncset.done $0x0;
	s31 =	sand.u32 $0x4000, s16  }
0x20: {  	s16 =	simm.s32 $0x0;
	s14 =	sshll.u32 s13, $0xE;
	[sflag:s4] =	ssyncadd.s32 $0xFFFFC000  }
0x21: {  	s13 =	sor.u32 $0x8040, s14;
	s15 =	sor.u32 $0x40, s14;
	s14 =	sor.u32 $0x8000, s31  }
.LBB1_3:
0x22: {  	v0 =	vmov s15;
	_ =	sdelay $0x3  }
0x23: {  	s18 =	simm.s32 $0x0  }
0x24: {  	v6 =	vld.idx.msk [tilespmem:v0+s18+$0x30 ss:$0x1], $0xffff  }
0x25: {  	v7 =	vld.idx.msk [tilespmem:v0+s18+$0xFFFFFFC0 ss:$0x1], $0xffff  }
0x26: {  	v5 =	vld.idx.msk [tilespmem:v0+s18+$0xFFFFFFD0 ss:$0x1], $0xffff  }
0x27: {  	v4 =	vld.idx.msk [tilespmem:v0+s18+$0xFFFFFFE0 ss:$0x1], $0xffff  }
0x28: {  	v3 =	vld.idx.msk [tilespmem:v0+s18+$0xFFFFFFF0 ss:$0x1], $0xffff  }
0x29: {  	v1 =	vld.idx.msk [tilespmem:v0+s18+$0x0 ss:$0x1], $0xffff  }
0x2a: {  	v2 =	vld.idx.msk [tilespmem:v0+s18+$0x10 ss:$0x1], $0xffff;
	[tilespmem:s13+$0x30] =	vst v6  }
0x2b: {  	s17 =	simm.s32 $0x80;
	s19 =	simm.s32 $0x400;
	[tilespmem:s13+$0xFFFFFFC0] =	vst v7;
	v6 =	vld.idx.msk [tilespmem:v0+s18+$0x20 ss:$0x1], $0xffff;
	s18 =	smov.u32 s13  }
.LBB1_4:
0x2c: {  	p1 =	sne.s32 s19, $0xE00;
	v7 =	vld.idx.msk [tilespmem:v0+s17+$0x30 ss:$0x1], $0xffff;
	[tilespmem:s18+$0xFFFFFFD0] =	vst v5  }
0x2d: {  	v8 =	vld.idx.msk [tilespmem:v0+s17+$0xFFFFFFC0 ss:$0x1], $0xffff;
	[tilespmem:s18+$0xFFFFFFE0] =	vst v4  }
0x2e: {  	v5 =	vld.idx.msk [tilespmem:v0+s17+$0xFFFFFFD0 ss:$0x1], $0xffff;
	[tilespmem:s18+$0xFFFFFFF0] =	vst v3  }
.Ltmp3:
0x2f: {  	v4 =	vld.idx.msk [tilespmem:v0+s17+$0xFFFFFFE0 ss:$0x1], $0xffff;
	[tilespmem:s18+$0x0] =	vst v1;
	(pc) =	sbr.rel @p1 .LBB1_4-.Ltmp3, $4  }
0x30: {  	v3 =	vld.idx.msk [tilespmem:v0+s17+$0xFFFFFFF0 ss:$0x1], $0xffff;
	[tilespmem:s18+$0x10] =	vst v2  }
0x31: {  	v1 =	vld.idx.msk [tilespmem:v0+s17+$0x0 ss:$0x1], $0xffff;
	[tilespmem:s18+$0x20] =	vst v6;
	s18 =	sadd.s32 $0x800, s18  }
0x32: {  	v2 =	vld.idx.msk [tilespmem:v0+s17+$0x10 ss:$0x1], $0xffff;
	[tilespmem:s18+$0x30] =	vst v7  }
0x33: {  	[tilespmem:s18+$0xFFFFFFC0] =	vst v8;
	v6 =	vld.idx.msk [tilespmem:v0+s17+$0x20 ss:$0x1], $0xffff;
	s17 =	sshra.s32 s19, $0x2;
	s19 =	sadd.s32 $0x200, s19  }
0x34: {  	_ =	sdelay $0x2  }
0x35: {  	[tilespmem:s18+$0xFFFFFFD0] =	vst v5  }
0x36: {  	v56 =	vld.idx.msk [tilespmem:v0+s17+$0x30 ss:$0x1], $0xffff;
	[tilespmem:s18+$0xFFFFFFE0] =	vst v4  }
0x37: {  	v57 =	vld.idx.msk [tilespmem:v0+s17+$0xFFFFFFC0 ss:$0x1], $0xffff;
	[tilespmem:s18+$0xFFFFFFF0] =	vst v3  }
0x38: {  	v58 =	vld.idx.msk [tilespmem:v0+s17+$0xFFFFFFD0 ss:$0x1], $0xffff;
	[tilespmem:s18+$0x0] =	vst v1  }
0x39: {  	v59 =	vld.idx.msk [tilespmem:v0+s17+$0xFFFFFFE0 ss:$0x1], $0xffff;
	[tilespmem:s18+$0x10] =	vst v2  }
0x3a: {  	v60 =	vld.idx.msk [tilespmem:v0+s17+$0xFFFFFFF0 ss:$0x1], $0xffff;
	s31 =	sadd.s32 $0x800, s18;
	[tilespmem:s18+$0x20] =	vst v6  }
0x3b: {  	v61 =	vld.idx.msk [tilespmem:v0+s17+$0x0 ss:$0x1], $0xffff;
	[tilespmem:s31+$0x30] =	vst v56  }
0x3c: {  	v62 =	vld.idx.msk [tilespmem:v0+s17+$0x10 ss:$0x1], $0xffff;
	s16 =	sadd.s32 $0x1, s16;
	[tilespmem:s31+$0xFFFFFFC0] =	vst v57  }
0x3d: {  	v63 =	vld.idx.msk [tilespmem:v0+s17+$0x20 ss:$0x1], $0xffff;
	p1 =	sne.s32 s16, $0x10;
	[tilespmem:s31+$0xFFFFFFD0] =	vst v58  }
.Ltmp4:
0x3e: {  	[tilespmem:s31+$0xFFFFFFE0] =	vst v59;
	(pc) =	sbr.rel @p1 .LBB1_3-.Ltmp4, $4  }
0x3f: {  	[tilespmem:s31+$0xFFFFFFF0] =	vst v60  }
0x40: {  	[tilespmem:s31+$0x0] =	vst v61  }
0x41: {  	[tilespmem:s31+$0x10] =	vst v62  }
0x42: {  	s13 =	sadd.s32 $0x80, s13;
	s15 =	sadd.s32 $0x400, s15;
	[tilespmem:s31+$0x20] =	vst v63  }
.Ltmp5:
0x43: {  	(pc) =	sbr.rel .LBB1_7-.Ltmp5, $4  }
0x44: {  	s12 =	sshll.u32 s12, $0xD;
	s11 =	sshll.u32 s11, $0x4  }
0x45: {  	s11 =	sand.u32 $0x3F0, s11;
	s12 =	sadd.s32 s3, s12  }
0x46: {  	s11 =	sadd.s32 s11, s12  }
0x47: {  	[hbm4b:s11+s6] =	stream.strided.scatter [tilespmem:s14], [sflag:$0x2], $0x4000, s7, s6, $0x38;
	[tilespmem:$0x10000] =	vst v63  }
.LBB1_8:
0x48: {  	_ =	sfence.sel $0x180000  }
0x49: {  	s2 =	simm.s32 $0x1;
	[bflag:$0x0] =	sbarrier.arrive $0xFFFF  }
0x4a: {  	s31 =	simm.s32 $0x2;
	[sflag:s2] =	ssyncpa.u1 $0x1  }
0x4b: {  	[sflag:s31] =	ssyncpa.u1 $0x1  }
0x4c: {  	p0 =	sne.s32 s1, $0x0;
	_ =	strace $0x90000047  }
0x4d: {  	s0 =	sadd.s32 @!p0 $0x100000, s0;
	[bflag:$0x2] =	sbarrier.arrive $0xFFFF  }
0x4e: {  	[sflag:s0] =	ssyncadd.tile.s32 @!p0 $0x1;
	_ =	shalt  }
.Lfunc_end1:
_tile_overlayer_lowered:
.L_overlay_start_2:
0x4f: {  	(tag) =	ssettag $0x2  }
0x50: {  	s0 =	rddreg [dreg:$0x0];
	s2 =	stileid.u32  }
0x51: {  	s1 =	rddreg [dreg:$0x1];
	p0 =	sne.s32 s2, $0x0  }
0x52: {  	s3 =	rddreg [dreg:$0x2];
	[bflag:$0x3] =	sbarrier.arrive $0xFFFF;
	s2 =	simm.s32 @!p0 $0x1C01  }
0x53: {  	[timem:s3], [sflag:s2] =	dma.local @!p0 [hbm:s0], s1  }
0x54: {  	s0 =	simm.s32 @!p0 $0x1  }
0x55: {  	_ =	swait.ge @!p0 [sflag:s0], s1  }
0x56: {  	s1 =	ssub.s32 @!p0 $0x0, s1;
	[sflag:s0] =	ssyncset.done @!p0 $0x0  }
0x57: {  	[sflag:s0] =	ssyncadd.s32 @!p0 s1  }
0x58: {  	[bflag:$0x3] =	sbarrier.arrive $0xFFFF  }
0x59: {  	_ =	shalt  }

</sc_bundles>
